<compile_context>
chip_gen: v7x
topology: tpu7x:2x2x1
jax: 0.10.2.dev20260603
libtpu: 0.0.44.dev20260713+nightly
codegen_flags: <defaults>
</compile_context>

<pallas_src>
import jax
import jax.numpy as jnp
from jax import lax
from jax.experimental import pallas as pl
from jax.experimental.pallas import tpu as pltpu
from jax.experimental.pallas import tpu_sc as plsc

_NF = 64
_NS = 100000
_B = 1024
_TEMP = 0.05
_LOG2E = 1.4426950408889634
_LN2 = 0.6931471805599453
_SCALE = _LOG2E / _TEMP
_BN = 5000

_NW = 32
_BPW = _B // _NW


def _sc_gather_body(table_hbm, idx_hbm, out_hbm, idx_v, rows_v, sem):
    wid = lax.axis_index("s") * 2 + lax.axis_index("c")
    base = wid * _BPW
    pltpu.sync_copy(idx_hbm.at[pl.ds(base, _BPW)], idx_v)
    copies = []
    for j in range(_BPW):
        grp = idx_v[pl.ds((j // 16) * 16, 16)]
        row = grp[j % 16]
        copies.append(pltpu.async_copy(
            table_hbm.at[pl.ds(row, 1)], rows_v.at[pl.ds(j, 1)], sem))
    for c in copies:
        c.wait()
    pltpu.sync_copy(rows_v, out_hbm.at[pl.ds(base, _BPW)])


def _sc_gather(features, targets):
    mesh = plsc.VectorSubcoreMesh(core_axis_name="c", subcore_axis_name="s")
    k = pl.kernel(
        _sc_gather_body,
        mesh=mesh,
        out_type=jax.ShapeDtypeStruct((_B, _NF), jnp.float32),
        scratch_types=[
            pltpu.VMEM((_BPW,), jnp.int32),
            pltpu.VMEM((_BPW, _NF), jnp.float32),
            pltpu.SemaphoreType.DMA,
        ],
        compiler_params=pltpu.CompilerParams(use_tc_tiling_on_sc=True),
    )
    return k(features, targets)


def _sumexp_body(x_ref, f_ref, s_ref, s_acc):
    i = pl.program_id(0)

    @pl.when(i == 0)
    def _init():
        s_acc[...] = jnp.zeros_like(s_acc)

    x = x_ref[...]
    norm = jnp.sqrt(jnp.sum(x * x, axis=1, keepdims=True))
    xn = x * (_SCALE / jnp.maximum(norm, 1e-12))

    z = jax.lax.dot_general(
        xn, f_ref[...], (((1,), (1,)), ((), ())))
    s_acc[...] += jnp.sum(jnp.exp2(z), axis=1, keepdims=True)

    @pl.when(i == pl.num_programs(0) - 1)
    def _final():
        s_ref[...] = s_acc[...]


def _combine_body(x_ref, trow_ref, s_ref, out_ref):
    x = x_ref[...]
    norm = jnp.sqrt(jnp.sum(x * x, axis=1, keepdims=True))
    xn = x * (_SCALE / jnp.maximum(norm, 1e-12))
    tgt = jnp.sum(xn * trow_ref[...], axis=1, keepdims=True)
    lse2 = jnp.log2(s_ref[...])
    out_ref[...] = (_LN2 * jnp.mean(lse2 - tgt)).reshape(1, 1)


def kernel(inputs, targets, features):
    trows = _sc_gather(features, targets.astype(jnp.int32))
    s = pl.pallas_call(
        _sumexp_body,
        grid=(_NS // _BN,),
        in_specs=[
            pl.BlockSpec((_B, _NF), lambda i: (0, 0)),
            pl.BlockSpec((_BN, _NF), lambda i: (i, 0)),
        ],
        out_specs=pl.BlockSpec((_B, 1), lambda i: (0, 0)),
        out_shape=jax.ShapeDtypeStruct((_B, 1), jnp.float32),
        scratch_shapes=[
            pltpu.VMEM((_B, 1), jnp.float32),
        ],
        compiler_params=pltpu.CompilerParams(
            dimension_semantics=("arbitrary",)),
    )(inputs, features)
    out = pl.pallas_call(
        _combine_body,
        out_shape=jax.ShapeDtypeStruct((1, 1), jnp.float32),
    )(inputs, trows, s)
    return out[0, 0]

# --- scband reference (transcript-rebuilt; emitter-appended) ---
"""Pipeline reference for scband-cluster-memory-6021544149252 (READ-ONLY COPY).

The authoritative reference and input builder live on the scoring server;
editing this copy changes nothing except your own understanding.
"""

import jax, jax.numpy as jnp
import numpy as np

NUM_FEATURES = 64
NUM_SAMPLES = 100000
BATCH = 1024
TEMP = 0.05
MOMENTUM = 0.2


def setup_inputs(seed: int = 0) -> dict:
    key = jax.random.key(seed)
    k1, k2, k3 = jax.random.split(key, 3)
    inputs = jax.random.normal(k1, (BATCH, NUM_FEATURES), dtype=jnp.float32)
    targets = jax.random.randint(k2, (BATCH,), 0, NUM_SAMPLES, dtype=jnp.int32)
    # memory bank buffer; registered as zeros in torch, but initialized here with
    # unit-norm cluster centroids so the forward math is non-degenerate
    features = jax.random.normal(k3, (NUM_SAMPLES, NUM_FEATURES), dtype=jnp.float32)
    features = features / jnp.maximum(jnp.linalg.norm(features, axis=1, keepdims=True), 1e-12)
    return {"inputs": inputs, "targets": targets, "features": features}


def reference(inputs, targets, features):
    # F.normalize(inputs, dim=1)
    norm = jnp.linalg.norm(inputs, axis=1, keepdims=True)
    x = inputs / jnp.maximum(norm, 1e-12)
    # CM.forward: inputs.mm(features.t())
    outputs = x @ features.T
    outputs = outputs / TEMP
    # F.cross_entropy(outputs, targets)
    lse = jax.nn.logsumexp(outputs, axis=1)
    tgt = jnp.take_along_axis(outputs, targets[:, None].astype(jnp.int32), axis=1)[:, 0]
    loss = jnp.mean(lse - tgt)
    return loss

if __name__ == "__main__":
    import jax
    _d = setup_inputs()
    print(jax.jit(kernel)(*tuple(_d.values())))

</pallas_src>

<mosaic_0001>
#map = affine_map<(d0, d1) -> (0, 0)>
#map1 = affine_map<(d0, d1) -> (0)>
module attributes {stable_mosaic.version = 14 : i64} {
  func.func @_sc_gather_body(%arg0: i32, %arg1: i32, %arg2: memref<100000x64xf32, #tpu.memory_space<hbm>>, %arg3: memref<1024xi32, #tpu.memory_space<hbm>>, %arg4: memref<1024x64xf32, #tpu.memory_space<hbm>>, %arg5: memref<32xi32, #tpu.memory_space<vmem>>, %arg6: memref<32x64xf32, #tpu.memory_space<vmem>>, %arg7: memref<!tpu.dma_semaphore, #tpu.memory_space<semaphore_mem>>) attributes {dimension_semantics = [#tpu.dimension_semantics<core_parallel>, #tpu.dimension_semantics<subcore_parallel>], iteration_bounds = array<i64: 2, 16>, scalar_prefetch = 0 : i64, scratch_operands = 3 : i64, tpu.core_type = #tpu.core_type<sc_vector_subcore>, window_params = [{transform_indices = #map}, {transform_indices = #map1}, {transform_indices = #map}]} {
    %mul3A = arith.constant 2 : i32
    %mul3A_0 = arith.muli %arg1, %mul3A : i32
    %add3A = arith.addi %mul3A_0, %arg0 : i32
    %mul3A_1 = arith.constant 32 : i32
    %mul3A_2 = arith.muli %add3A, %mul3A_1 : i32
    "tpu.region"() ({
      %run_scoped3A = tpu.sem_alloc : memref<!tpu.dma_semaphore, #tpu.memory_space<semaphore_mem>>
      %dma_start3A_798 = tpu.memref_slice %arg3[%mul3A_2] : memref<1024xi32, #tpu.memory_space<hbm>> -> memref<32xi32, #tpu.memory_space<hbm>>
      %dma_start3A_799 = tpu.memref_slice %arg3[%mul3A_2] : memref<1024xi32, #tpu.memory_space<hbm>> -> memref<32xi32, #tpu.memory_space<hbm>>
      tpu.enqueue_dma source(%dma_start3A_799 : memref<32xi32, #tpu.memory_space<hbm>>) target(%arg5 : memref<32xi32, #tpu.memory_space<vmem>>) target_semaphore(%run_scoped3A : memref<!tpu.dma_semaphore, #tpu.memory_space<semaphore_mem>>)
      %dma_wait3A_800 = tpu.memref_slice %arg3[%mul3A_2] : memref<1024xi32, #tpu.memory_space<hbm>> -> memref<32xi32, #tpu.memory_space<hbm>>
      %dma_wait3A_801 = tpu.memref_slice %arg3[%mul3A_2] : memref<1024xi32, #tpu.memory_space<hbm>> -> memref<32xi32, #tpu.memory_space<hbm>>
      tpu.wait_dma2 semaphore(%run_scoped3A : memref<!tpu.dma_semaphore, #tpu.memory_space<semaphore_mem>>) src(%dma_wait3A_801 : memref<32xi32, #tpu.memory_space<hbm>>) dst(%arg5 : memref<32xi32, #tpu.memory_space<vmem>>)
      tpu.yield
    }) : () -> ()
    %get3A = arith.constant 0 : index
    %get3A_3 = tpu.vector_load %arg5[%get3A] {strides = array<i32>} : memref<32xi32, #tpu.memory_space<vmem>>, vector<16xi32>,
    %get3A_4 = vector.shape_cast %get3A_3 : vector<16xi32> to vector<16xi32>
    %slice3A = vector.extract_strided_slice %get3A_4 {offsets = [0], sizes = [1], strides = [1]} : vector<16xi32> to vector<1xi32>
    %squeeze3A = vector.extract %slice3A[0] : i32 from vector<1xi32>
    %dma_start3A = arith.constant 0 : i32
    %dma_start3A_5 = arith.constant 0 : i32
    %dma_start3A_6 = tpu.memref_slice %arg6[%dma_start3A, %dma_start3A_5] : memref<32x64xf32, #tpu.memory_space<vmem>> -> memref<1x64xf32, #tpu.memory_space<vmem>>
    %dma_start3A_7 = arith.constant 0 : i32
    %dma_start3A_8 = tpu.memref_slice %arg2[%squeeze3A, %dma_start3A_7] : memref<100000x64xf32, #tpu.memory_space<hbm>> -> memref<1x64xf32, #tpu.memory_space<hbm>>
    %dma_start3A_9 = arith.constant 0 : i32
    %dma_start3A_10 = arith.constant 0 : i32
    %dma_start3A_11 = tpu.memref_slice %arg6[%dma_start3A_9, %dma_start3A_10] : memref<32x64xf32, #tpu.memory_space<vmem>> -> memref<1x64xf32, #tpu.memory_space<vmem>>
    %dma_start3A_12 = arith.constant 0 : i32
    %dma_start3A_13 = tpu.memref_slice %arg2[%squeeze3A, %dma_start3A_12] : memref<100000x64xf32, #tpu.memory_space<hbm>> -> memref<1x64xf32, #tpu.memory_space<hbm>>
    tpu.enqueue_dma source(%dma_start3A_13 : memref<1x64xf32, #tpu.memory_space<hbm>>) target(%dma_start3A_11 : memref<1x64xf32, #tpu.memory_space<vmem>>) target_semaphore(%arg7 : memref<!tpu.dma_semaphore, #tpu.memory_space<semaphore_mem>>)
    %get3A_14 = arith.constant 0 : index
    %get3A_15 = tpu.vector_load %arg5[%get3A_14] {strides = array<i32>} : memref<32xi32, #tpu.memory_space<vmem>>, vector<16xi32>,
    %get3A_16 = vector.shape_cast %get3A_15 : vector<16xi32> to vector<16xi32>
    %slice3A_17 = vector.extract_strided_slice %get3A_16 {offsets = [1], sizes = [1], strides = [1]} : vector<16xi32> to vector<1xi32>
    %squeeze3A_18 = vector.extract %slice3A_17[0] : i32 from vector<1xi32>
    %dma_start3A_19 = arith.constant 1 : i32
    %dma_start3A_20 = arith.constant 0 : i32
    %dma_start3A_21 = tpu.memref_slice %arg6[%dma_start3A_19, %dma_start3A_20] : memref<32x64xf32, #tpu.memory_space<vmem>> -> memref<1x64xf32, #tpu.memory_space<vmem>>
    %dma_start3A_22 = arith.constant 0 : i32
    %dma_start3A_23 = tpu.memref_slice %arg2[%squeeze3A_18, %dma_start3A_22] : memref<100000x64xf32, #tpu.memory_space<hbm>> -> memref<1x64xf32, #tpu.memory_space<hbm>>
    %dma_start3A_24 = arith.constant 1 : i32
    %dma_start3A_25 = arith.constant 0 : i32
    %dma_start3A_26 = tpu.memref_slice %arg6[%dma_start3A_24, %dma_start3A_25] : memref<32x64xf32, #tpu.memory_space<vmem>> -> memref<1x64xf32, #tpu.memory_space<vmem>>
    %dma_start3A_27 = arith.constant 0 : i32
    %dma_start3A_28 = tpu.memref_slice %arg2[%squeeze3A_18, %dma_start3A_27] : memref<100000x64xf32, #tpu.memory_space<hbm>> -> memref<1x64xf32, #tpu.memory_space<hbm>>
    tpu.enqueue_dma source(%dma_start3A_28 : memref<1x64xf32, #tpu.memory_space<hbm>>) target(%dma_start3A_26 : memref<1x64xf32, #tpu.memory_space<vmem>>) target_semaphore(%arg7 : memref<!tpu.dma_semaphore, #tpu.memory_space<semaphore_mem>>)
    %get3A_29 = arith.constant 0 : index
    %get3A_30 = tpu.vector_load %arg5[%get3A_29] {strides = array<i32>} : memref<32xi32, #tpu.memory_space<vmem>>, vector<16xi32>,
    %get3A_31 = vector.shape_cast %get3A_30 : vector<16xi32> to vector<16xi32>
    %slice3A_32 = vector.extract_strided_slice %get3A_31 {offsets = [2], sizes = [1], strides = [1]} : vector<16xi32> to vector<1xi32>
    %squeeze3A_33 = vector.extract %slice3A_32[0] : i32 from vector<1xi32>
    %dma_start3A_34 = arith.constant 2 : i32
    %dma_start3A_35 = arith.constant 0 : i32
    %dma_start3A_36 = tpu.memref_slice %arg6[%dma_start3A_34, %dma_start3A_35] : memref<32x64xf32, #tpu.memory_space<vmem>> -> memref<1x64xf32, #tpu.memory_space<vmem>>
    %dma_start3A_37 = arith.constant 0 : i32
    %dma_start3A_38 = tpu.memref_slice %arg2[%squeeze3A_33, %dma_start3A_37] : memref<100000x64xf32, #tpu.memory_space<hbm>> -> memref<1x64xf32, #tpu.memory_space<hbm>>
    %dma_start3A_39 = arith.constant 2 : i32
    %dma_start3A_40 = arith.constant 0 : i32
    %dma_start3A_41 = tpu.memref_slice %arg6[%dma_start3A_39, %dma_start3A_40] : memref<32x64xf32, #tpu.memory_space<vmem>> -> memref<1x64xf32, #tpu.memory_space<vmem>>
    %dma_start3A_42 = arith.constant 0 : i32
    %dma_start3A_43 = tpu.memref_slice %arg2[%squeeze3A_33, %dma_start3A_42] : memref<100000x64xf32, #tpu.memory_space<hbm>> -> memref<1x64xf32, #tpu.memory_space<hbm>>
    tpu.enqueue_dma source(%dma_start3A_43 : memref<1x64xf32, #tpu.memory_space<hbm>>) target(%dma_start3A_41 : memref<1x64xf32, #tpu.memory_space<vmem>>) target_semaphore(%arg7 : memref<!tpu.dma_semaphore, #tpu.memory_space<semaphore_mem>>)
    %get3A_44 = arith.constant 0 : index
    %get3A_45 = tpu.vector_load %arg5[%get3A_44] {strides = array<i32>} : memref<32xi32, #tpu.memory_space<vmem>>, vector<16xi32>,
    %get3A_46 = vector.shape_cast %get3A_45 : vector<16xi32> to vector<16xi32>
    %slice3A_47 = vector.extract_strided_slice %get3A_46 {offsets = [3], sizes = [1], strides = [1]} : vector<16xi32> to vector<1xi32>
    %squeeze3A_48 = vector.extract %slice3A_47[0] : i32 from vector<1xi32>
    %dma_start3A_49 = arith.constant 3 : i32
    %dma_start3A_50 = arith.constant 0 : i32
    %dma_start3A_51 = tpu.memref_slice %arg6[%dma_start3A_49, %dma_start3A_50] : memref<32x64xf32, #tpu.memory_space<vmem>> -> memref<1x64xf32, #tpu.memory_space<vmem>>
    %dma_start3A_52 = arith.constant 0 : i32
    %dma_start3A_53 = tpu.memref_slice %arg2[%squeeze3A_48, %dma_start3A_52] : memref<100000x64xf32, #tpu.memory_space<hbm>> -> memref<1x64xf32, #tpu.memory_space<hbm>>
    %dma_start3A_54 = arith.constant 3 : i32
    %dma_start3A_55 = arith.constant 0 : i32
    %dma_start3A_56 = tpu.memref_slice %arg6[%dma_start3A_54, %dma_start3A_55] : memref<32x64xf32, #tpu.memory_space<vmem>> -> memref<1x64xf32, #tpu.memory_space<vmem>>
    %dma_start3A_57 = arith.constant 0 : i32
    %dma_start3A_58 = tpu.memref_slice %arg2[%squeeze3A_48, %dma_start3A_57] : memref<100000x64xf32, #tpu.memory_space<hbm>> -> memref<1x64xf32, #tpu.memory_space<hbm>>
    tpu.enqueue_dma source(%dma_start3A_58 : memref<1x64xf32, #tpu.memory_space<hbm>>) target(%dma_start3A_56 : memref<1x64xf32, #tpu.memory_space<vmem>>) target_semaphore(%arg7 : memref<!tpu.dma_semaphore, #tpu.memory_space<semaphore_mem>>)
    %get3A_59 = arith.constant 0 : index
    %get3A_60 = tpu.vector_load %arg5[%get3A_59] {strides = array<i32>} : memref<32xi32, #tpu.memory_space<vmem>>, vector<16xi32>,
    %get3A_61 = vector.shape_cast %get3A_60 : vector<16xi32> to vector<16xi32>
    %slice3A_62 = vector.extract_strided_slice %get3A_61 {offsets = [4], sizes = [1], strides = [1]} : vector<16xi32> to vector<1xi32>
    %squeeze3A_63 = vector.extract %slice3A_62[0] : i32 from vector<1xi32>
    %dma_start3A_64 = arith.constant 4 : i32
    %dma_start3A_65 = arith.constant 0 : i32
    %dma_start3A_66 = tpu.memref_slice %arg6[%dma_start3A_64, %dma_start3A_65] : memref<32x64xf32, #tpu.memory_space<vmem>> -> memref<1x64xf32, #tpu.memory_space<vmem>>
    %dma_start3A_67 = arith.constant 0 : i32
    %dma_start3A_68 = tpu.memref_slice %arg2[%squeeze3A_63, %dma_start3A_67] : memref<100000x64xf32, #tpu.memory_space<hbm>> -> memref<1x64xf32, #tpu.memory_space<hbm>>
    %dma_start3A_69 = arith.constant 4 : i32
    %dma_start3A_70 = arith.constant 0 : i32
    %dma_start3A_71 = tpu.memref_slice %arg6[%dma_start3A_69, %dma_start3A_70] : memref<32x64xf32, #tpu.memory_space<vmem>> -> memref<1x64xf32, #tpu.memory_space<vmem>>
    %dma_start3A_72 = arith.constant 0 : i32
    %dma_start3A_73 = tpu.memref_slice %arg2[%squeeze3A_63, %dma_start3A_72] : memref<100000x64xf32, #tpu.memory_space<hbm>> -> memref<1x64xf32, #tpu.memory_space<hbm>>
    tpu.enqueue_dma source(%dma_start3A_73 : memref<1x64xf32, #tpu.memory_space<hbm>>) target(%dma_start3A_71 : memref<1x64xf32, #tpu.memory_space<vmem>>) target_semaphore(%arg7 : memref<!tpu.dma_semaphore, #tpu.memory_space<semaphore_mem>>)
    %get3A_74 = arith.constant 0 : index
    %get3A_75 = tpu.vector_load %arg5[%get3A_74] {strides = array<i32>} : memref<32xi32, #tpu.memory_space<vmem>>, vector<16xi32>,
    %get3A_76 = vector.shape_cast %get3A_75 : vector<16xi32> to vector<16xi32>
    %slice3A_77 = vector.extract_strided_slice %get3A_76 {offsets = [5], sizes = [1], strides = [1]} : vector<16xi32> to vector<1xi32>
    %squeeze3A_78 = vector.extract %slice3A_77[0] : i32 from vector<1xi32>
    %dma_start3A_79 = arith.constant 5 : i32
    %dma_start3A_80 = arith.constant 0 : i32
    %dma_start3A_81 = tpu.memref_slice %arg6[%dma_start3A_79, %dma_start3A_80] : memref<32x64xf32, #tpu.memory_space<vmem>> -> memref<1x64xf32, #tpu.memory_space<vmem>>
    %dma_start3A_82 = arith.constant 0 : i32
    %dma_start3A_83 = tpu.memref_slice %arg2[%squeeze3A_78, %dma_start3A_82] : memref<100000x64xf32, #tpu.memory_space<hbm>> -> memref<1x64xf32, #tpu.memory_space<hbm>>
    %dma_start3A_84 = arith.constant 5 : i32
    %dma_start3A_85 = arith.constant 0 : i32
    %dma_start3A_86 = tpu.memref_slice %arg6[%dma_start3A_84, %dma_start3A_85] : memref<32x64xf32, #tpu.memory_space<vmem>> -> memref<1x64xf32, #tpu.memory_space<vmem>>
    %dma_start3A_87 = arith.constant 0 : i32
    %dma_start3A_88 = tpu.memref_slice %arg2[%squeeze3A_78, %dma_start3A_87] : memref<100000x64xf32, #tpu.memory_space<hbm>> -> memref<1x64xf32, #tpu.memory_space<hbm>>
    tpu.enqueue_dma source(%dma_start3A_88 : memref<1x64xf32, #tpu.memory_space<hbm>>) target(%dma_start3A_86 : memref<1x64xf32, #tpu.memory_space<vmem>>) target_semaphore(%arg7 : memref<!tpu.dma_semaphore, #tpu.memory_space<semaphore_mem>>)
    %get3A_89 = arith.constant 0 : index
    %get3A_90 = tpu.vector_load %arg5[%get3A_89] {strides = array<i32>} : memref<32xi32, #tpu.memory_space<vmem>>, vector<16xi32>,
    %get3A_91 = vector.shape_cast %get3A_90 : vector<16xi32> to vector<16xi32>
    %slice3A_92 = vector.extract_strided_slice %get3A_91 {offsets = [6], sizes = [1], strides = [1]} : vector<16xi32> to vector<1xi32>
    %squeeze3A_93 = vector.extract %slice3A_92[0] : i32 from vector<1xi32>
    %dma_start3A_94 = arith.constant 6 : i32
    %dma_start3A_95 = arith.constant 0 : i32
    %dma_start3A_96 = tpu.memref_slice %arg6[%dma_start3A_94, %dma_start3A_95] : memref<32x64xf32, #tpu.memory_space<vmem>> -> memref<1x64xf32, #tpu.memory_space<vmem>>
    %dma_start3A_97 = arith.constant 0 : i32
    %dma_start3A_98 = tpu.memref_slice %arg2[%squeeze3A_93, %dma_start3A_97] : memref<100000x64xf32, #tpu.memory_space<hbm>> -> memref<1x64xf32, #tpu.memory_space<hbm>>
    %dma_start3A_99 = arith.constant 6 : i32
    %dma_start3A_100 = arith.constant 0 : i32
    %dma_start3A_101 = tpu.memref_slice %arg6[%dma_start3A_99, %dma_start3A_100] : memref<32x64xf32, #tpu.memory_space<vmem>> -> memref<1x64xf32, #tpu.memory_space<vmem>>
    %dma_start3A_102 = arith.constant 0 : i32
    %dma_start3A_103 = tpu.memref_slice %arg2[%squeeze3A_93, %dma_start3A_102] : memref<100000x64xf32, #tpu.memory_space<hbm>> -> memref<1x64xf32, #tpu.memory_space<hbm>>
    tpu.enqueue_dma source(%dma_start3A_103 : memref<1x64xf32, #tpu.memory_space<hbm>>) target(%dma_start3A_101 : memref<1x64xf32, #tpu.memory_space<vmem>>) target_semaphore(%arg7 : memref<!tpu.dma_semaphore, #tpu.memory_space<semaphore_mem>>)
    %get3A_104 = arith.constant 0 : index
    %get3A_105 = tpu.vector_load %arg5[%get3A_104] {strides = array<i32>} : memref<32xi32, #tpu.memory_space<vmem>>, vector<16xi32>,
    %get3A_106 = vector.shape_cast %get3A_105 : vector<16xi32> to vector<16xi32>
    %slice3A_107 = vector.extract_strided_slice %get3A_106 {offsets = [7], sizes = [1], strides = [1]} : vector<16xi32> to vector<1xi32>
    %squeeze3A_108 = vector.extract %slice3A_107[0] : i32 from vector<1xi32>
    %dma_start3A_109 = arith.constant 7 : i32
    %dma_start3A_110 = arith.constant 0 : i32
    %dma_start3A_111 = tpu.memref_slice %arg6[%dma_start3A_109, %dma_start3A_110] : memref<32x64xf32, #tpu.memory_space<vmem>> -> memref<1x64xf32, #tpu.memory_space<vmem>>
    %dma_start3A_112 = arith.constant 0 : i32
    %dma_start3A_113 = tpu.memref_slice %arg2[%squeeze3A_108, %dma_start3A_112] : memref<100000x64xf32, #tpu.memory_space<hbm>> -> memref<1x64xf32, #tpu.memory_space<hbm>>
    %dma_start3A_114 = arith.constant 7 : i32
    %dma_start3A_115 = arith.constant 0 : i32
    %dma_start3A_116 = tpu.memref_slice %arg6[%dma_start3A_114, %dma_start3A_115] : memref<32x64xf32, #tpu.memory_space<vmem>> -> memref<1x64xf32, #tpu.memory_space<vmem>>
    %dma_start3A_117 = arith.constant 0 : i32
    %dma_start3A_118 = tpu.memref_slice %arg2[%squeeze3A_108, %dma_start3A_117] : memref<100000x64xf32, #tpu.memory_space<hbm>> -> memref<1x64xf32, #tpu.memory_space<hbm>>
    tpu.enqueue_dma source(%dma_start3A_118 : memref<1x64xf32, #tpu.memory_space<hbm>>) target(%dma_start3A_116 : memref<1x64xf32, #tpu.memory_space<vmem>>) target_semaphore(%arg7 : memref<!tpu.dma_semaphore, #tpu.memory_space<semaphore_mem>>)
    %get3A_119 = arith.constant 0 : index
    %get3A_120 = tpu.vector_load %arg5[%get3A_119] {strides = array<i32>} : memref<32xi32, #tpu.memory_space<vmem>>, vector<16xi32>,
    %get3A_121 = vector.shape_cast %get3A_120 : vector<16xi32> to vector<16xi32>
    %slice3A_122 = vector.extract_strided_slice %get3A_121 {offsets = [8], sizes = [1], strides = [1]} : vector<16xi32> to vector<1xi32>
    %squeeze3A_123 = vector.extract %slice3A_122[0] : i32 from vector<1xi32>
    %dma_start3A_124 = arith.constant 8 : i32
    %dma_start3A_125 = arith.constant 0 : i32
    %dma_start3A_126 = tpu.memref_slice %arg6[%dma_start3A_124, %dma_start3A_125] : memref<32x64xf32, #tpu.memory_space<vmem>> -> memref<1x64xf32, #tpu.memory_space<vmem>>
    %dma_start3A_127 = arith.constant 0 : i32
    %dma_start3A_128 = tpu.memref_slice %arg2[%squeeze3A_123, %dma_start3A_127] : memref<100000x64xf32, #tpu.memory_space<hbm>> -> memref<1x64xf32, #tpu.memory_space<hbm>>
    %dma_start3A_129 = arith.constant 8 : i32
    %dma_start3A_130 = arith.constant 0 : i32
    %dma_start3A_131 = tpu.memref_slice %arg6[%dma_start3A_129, %dma_start3A_130] : memref<32x64xf32, #tpu.memory_space<vmem>> -> memref<1x64xf32, #tpu.memory_space<vmem>>
    %dma_start3A_132 = arith.constant 0 : i32
    %dma_start3A_133 = tpu.memref_slice %arg2[%squeeze3A_123, %dma_start3A_132] : memref<100000x64xf32, #tpu.memory_space<hbm>> -> memref<1x64xf32, #tpu.memory_space<hbm>>
    tpu.enqueue_dma source(%dma_start3A_133 : memref<1x64xf32, #tpu.memory_space<hbm>>) target(%dma_start3A_131 : memref<1x64xf32, #tpu.memory_space<vmem>>) target_semaphore(%arg7 : memref<!tpu.dma_semaphore, #tpu.memory_space<semaphore_mem>>)
    %get3A_134 = arith.constant 0 : index
    %get3A_135 = tpu.vector_load %arg5[%get3A_134] {strides = array<i32>} : memref<32xi32, #tpu.memory_space<vmem>>, vector<16xi32>,
    %get3A_136 = vector.shape_cast %get3A_135 : vector<16xi32> to vector<16xi32>
    %slice3A_137 = vector.extract_strided_slice %get3A_136 {offsets = [9], sizes = [1], strides = [1]} : vector<16xi32> to vector<1xi32>
    %squeeze3A_138 = vector.extract %slice3A_137[0] : i32 from vector<1xi32>
    %dma_start3A_139 = arith.constant 9 : i32
    %dma_start3A_140 = arith.constant 0 : i32
    %dma_start3A_141 = tpu.memref_slice %arg6[%dma_start3A_139, %dma_start3A_140] : memref<32x64xf32, #tpu.memory_space<vmem>> -> memref<1x64xf32, #tpu.memory_space<vmem>>
    %dma_start3A_142 = arith.constant 0 : i32
    %dma_start3A_143 = tpu.memref_slice %arg2[%squeeze3A_138, %dma_start3A_142] : memref<100000x64xf32, #tpu.memory_space<hbm>> -> memref<1x64xf32, #tpu.memory_space<hbm>>
    %dma_start3A_144 = arith.constant 9 : i32
    %dma_start3A_145 = arith.constant 0 : i32
    %dma_start3A_146 = tpu.memref_slice %arg6[%dma_start3A_144, %dma_start3A_145] : memref<32x64xf32, #tpu.memory_space<vmem>> -> memref<1x64xf32, #tpu.memory_space<vmem>>
    %dma_start3A_147 = arith.constant 0 : i32
    %dma_start3A_148 = tpu.memref_slice %arg2[%squeeze3A_138, %dma_start3A_147] : memref<100000x64xf32, #tpu.memory_space<hbm>> -> memref<1x64xf32, #tpu.memory_space<hbm>>
    tpu.enqueue_dma source(%dma_start3A_148 : memref<1x64xf32, #tpu.memory_space<hbm>>) target(%dma_start3A_146 : memref<1x64xf32, #tpu.memory_space<vmem>>) target_semaphore(%arg7 : memref<!tpu.dma_semaphore, #tpu.memory_space<semaphore_mem>>)
    %get3A_149 = arith.constant 0 : index
    %get3A_150 = tpu.vector_load %arg5[%get3A_149] {strides = array<i32>} : memref<32xi32, #tpu.memory_space<vmem>>, vector<16xi32>,
    %get3A_151 = vector.shape_cast %get3A_150 : vector<16xi32> to vector<16xi32>
    %slice3A_152 = vector.extract_strided_slice %get3A_151 {offsets = [10], sizes = [1], strides = [1]} : vector<16xi32> to vector<1xi32>
    %squeeze3A_153 = vector.extract %slice3A_152[0] : i32 from vector<1xi32>
    %dma_start3A_154 = arith.constant 10 : i32
    %dma_start3A_155 = arith.constant 0 : i32
    %dma_start3A_156 = tpu.memref_slice %arg6[%dma_start3A_154, %dma_start3A_155] : memref<32x64xf32, #tpu.memory_space<vmem>> -> memref<1x64xf32, #tpu.memory_space<vmem>>
    %dma_start3A_157 = arith.constant 0 : i32
    %dma_start3A_158 = tpu.memref_slice %arg2[%squeeze3A_153, %dma_start3A_157] : memref<100000x64xf32, #tpu.memory_space<hbm>> -> memref<1x64xf32, #tpu.memory_space<hbm>>
    %dma_start3A_159 = arith.constant 10 : i32
    %dma_start3A_160 = arith.constant 0 : i32
    %dma_start3A_161 = tpu.memref_slice %arg6[%dma_start3A_159, %dma_start3A_160] : memref<32x64xf32, #tpu.memory_space<vmem>> -> memref<1x64xf32, #tpu.memory_space<vmem>>
    %dma_start3A_162 = arith.constant 0 : i32
    %dma_start3A_163 = tpu.memref_slice %arg2[%squeeze3A_153, %dma_start3A_162] : memref<100000x64xf32, #tpu.memory_space<hbm>> -> memref<1x64xf32, #tpu.memory_space<hbm>>
    tpu.enqueue_dma source(%dma_start3A_163 : memref<1x64xf32, #tpu.memory_space<hbm>>) target(%dma_start3A_161 : memref<1x64xf32, #tpu.memory_space<vmem>>) target_semaphore(%arg7 : memref<!tpu.dma_semaphore, #tpu.memory_space<semaphore_mem>>)
    %get3A_164 = arith.constant 0 : index
    %get3A_165 = tpu.vector_load %arg5[%get3A_164] {strides = array<i32>} : memref<32xi32, #tpu.memory_space<vmem>>, vector<16xi32>,
    %get3A_166 = vector.shape_cast %get3A_165 : vector<16xi32> to vector<16xi32>
    %slice3A_167 = vector.extract_strided_slice %get3A_166 {offsets = [11], sizes = [1], strides = [1]} : vector<16xi32> to vector<1xi32>
    %squeeze3A_168 = vector.extract %slice3A_167[0] : i32 from vector<1xi32>
    %dma_start3A_169 = arith.constant 11 : i32
    %dma_start3A_170 = arith.constant 0 : i32
    %dma_start3A_171 = tpu.memref_slice %arg6[%dma_start3A_169, %dma_start3A_170] : memref<32x64xf32, #tpu.memory_space<vmem>> -> memref<1x64xf32, #tpu.memory_space<vmem>>
    %dma_start3A_172 = arith.constant 0 : i32
    %dma_start3A_173 = tpu.memref_slice %arg2[%squeeze3A_168, %dma_start3A_172] : memref<100000x64xf32, #tpu.memory_space<hbm>> -> memref<1x64xf32, #tpu.memory_space<hbm>>
    %dma_start3A_174 = arith.constant 11 : i32
    %dma_start3A_175 = arith.constant 0 : i32
    %dma_start3A_176 = tpu.memref_slice %arg6[%dma_start3A_174, %dma_start3A_175] : memref<32x64xf32, #tpu.memory_space<vmem>> -> memref<1x64xf32, #tpu.memory_space<vmem>>
    %dma_start3A_177 = arith.constant 0 : i32
    %dma_start3A_178 = tpu.memref_slice %arg2[%squeeze3A_168, %dma_start3A_177] : memref<100000x64xf32, #tpu.memory_space<hbm>> -> memref<1x64xf32, #tpu.memory_space<hbm>>
    tpu.enqueue_dma source(%dma_start3A_178 : memref<1x64xf32, #tpu.memory_space<hbm>>) target(%dma_start3A_176 : memref<1x64xf32, #tpu.memory_space<vmem>>) target_semaphore(%arg7 : memref<!tpu.dma_semaphore, #tpu.memory_space<semaphore_mem>>)
    %get3A_179 = arith.constant 0 : index
    %get3A_180 = tpu.vector_load %arg5[%get3A_179] {strides = array<i32>} : memref<32xi32, #tpu.memory_space<vmem>>, vector<16xi32>,
    %get3A_181 = vector.shape_cast %get3A_180 : vector<16xi32> to vector<16xi32>
    %slice3A_182 = vector.extract_strided_slice %get3A_181 {offsets = [12], sizes = [1], strides = [1]} : vector<16xi32> to vector<1xi32>
    %squeeze3A_183 = vector.extract %slice3A_182[0] : i32 from vector<1xi32>
    %dma_start3A_184 = arith.constant 12 : i32
    %dma_start3A_185 = arith.constant 0 : i32
    %dma_start3A_186 = tpu.memref_slice %arg6[%dma_start3A_184, %dma_start3A_185] : memref<32x64xf32, #tpu.memory_space<vmem>> -> memref<1x64xf32, #tpu.memory_space<vmem>>
    %dma_start3A_187 = arith.constant 0 : i32
    %dma_start3A_188 = tpu.memref_slice %arg2[%squeeze3A_183, %dma_start3A_187] : memref<100000x64xf32, #tpu.memory_space<hbm>> -> memref<1x64xf32, #tpu.memory_space<hbm>>
    %dma_start3A_189 = arith.constant 12 : i32
    %dma_start3A_190 = arith.constant 0 : i32
    %dma_start3A_191 = tpu.memref_slice %arg6[%dma_start3A_189, %dma_start3A_190] : memref<32x64xf32, #tpu.memory_space<vmem>> -> memref<1x64xf32, #tpu.memory_space<vmem>>
    %dma_start3A_192 = arith.constant 0 : i32
    %dma_start3A_193 = tpu.memref_slice %arg2[%squeeze3A_183, %dma_start3A_192] : memref<100000x64xf32, #tpu.memory_space<hbm>> -> memref<1x64xf32, #tpu.memory_space<hbm>>
    tpu.enqueue_dma source(%dma_start3A_193 : memref<1x64xf32, #tpu.memory_space<hbm>>) target(%dma_start3A_191 : memref<1x64xf32, #tpu.memory_space<vmem>>) target_semaphore(%arg7 : memref<!tpu.dma_semaphore, #tpu.memory_space<semaphore_mem>>)
    %get3A_194 = arith.constant 0 : index
    %get3A_195 = tpu.vector_load %arg5[%get3A_194] {strides = array<i32>} : memref<32xi32, #tpu.memory_space<vmem>>, vector<16xi32>,
    %get3A_196 = vector.shape_cast %get3A_195 : vector<16xi32> to vector<16xi32>
    %slice3A_197 = vector.extract_strided_slice %get3A_196 {offsets = [13], sizes = [1], strides = [1]} : vector<16xi32> to vector<1xi32>
    %squeeze3A_198 = vector.extract %slice3A_197[0] : i32 from vector<1xi32>
    %dma_start3A_199 = arith.constant 13 : i32
    %dma_start3A_200 = arith.constant 0 : i32
    %dma_start3A_201 = tpu.memref_slice %arg6[%dma_start3A_199, %dma_start3A_200] : memref<32x64xf32, #tpu.memory_space<vmem>> -> memref<1x64xf32, #tpu.memory_space<vmem>>
    %dma_start3A_202 = arith.constant 0 : i32
    %dma_start3A_203 = tpu.memref_slice %arg2[%squeeze3A_198, %dma_start3A_202] : memref<100000x64xf32, #tpu.memory_space<hbm>> -> memref<1x64xf32, #tpu.memory_space<hbm>>
    %dma_start3A_204 = arith.constant 13 : i32
    %dma_start3A_205 = arith.constant 0 : i32
    %dma_start3A_206 = tpu.memref_slice %arg6[%dma_start3A_204, %dma_start3A_205] : memref<32x64xf32, #tpu.memory_space<vmem>> -> memref<1x64xf32, #tpu.memory_space<vmem>>
    %dma_start3A_207 = arith.constant 0 : i32
    %dma_start3A_208 = tpu.memref_slice %arg2[%squeeze3A_198, %dma_start3A_207] : memref<100000x64xf32, #tpu.memory_space<hbm>> -> memref<1x64xf32, #tpu.memory_space<hbm>>
    tpu.enqueue_dma source(%dma_start3A_208 : memref<1x64xf32, #tpu.memory_space<hbm>>) target(%dma_start3A_206 : memref<1x64xf32, #tpu.memory_space<vmem>>) target_semaphore(%arg7 : memref<!tpu.dma_semaphore, #tpu.memory_space<semaphore_mem>>)
    %get3A_209 = arith.constant 0 : index
    %get3A_210 = tpu.vector_load %arg5[%get3A_209] {strides = array<i32>} : memref<32xi32, #tpu.memory_space<vmem>>, vector<16xi32>,
    %get3A_211 = vector.shape_cast %get3A_210 : vector<16xi32> to vector<16xi32>
    %slice3A_212 = vector.extract_strided_slice %get3A_211 {offsets = [14], sizes = [1], strides = [1]} : vector<16xi32> to vector<1xi32>
    %squeeze3A_213 = vector.extract %slice3A_212[0] : i32 from vector<1xi32>
    %dma_start3A_214 = arith.constant 14 : i32
    %dma_start3A_215 = arith.constant 0 : i32
    %dma_start3A_216 = tpu.memref_slice %arg6[%dma_start3A_214, %dma_start3A_215] : memref<32x64xf32, #tpu.memory_space<vmem>> -> memref<1x64xf32, #tpu.memory_space<vmem>>
    %dma_start3A_217 = arith.constant 0 : i32
    %dma_start3A_218 = tpu.memref_slice %arg2[%squeeze3A_213, %dma_start3A_217] : memref<100000x64xf32, #tpu.memory_space<hbm>> -> memref<1x64xf32, #tpu.memory_space<hbm>>
    %dma_start3A_219 = arith.constant 14 : i32
    %dma_start3A_220 = arith.constant 0 : i32
    %dma_start3A_221 = tpu.memref_slice %arg6[%dma_start3A_219, %dma_start3A_220] : memref<32x64xf32, #tpu.memory_space<vmem>> -> memref<1x64xf32, #tpu.memory_space<vmem>>
    %dma_start3A_222 = arith.constant 0 : i32
    %dma_start3A_223 = tpu.memref_slice %arg2[%squeeze3A_213, %dma_start3A_222] : memref<100000x64xf32, #tpu.memory_space<hbm>> -> memref<1x64xf32, #tpu.memory_space<hbm>>
    tpu.enqueue_dma source(%dma_start3A_223 : memref<1x64xf32, #tpu.memory_space<hbm>>) target(%dma_start3A_221 : memref<1x64xf32, #tpu.memory_space<vmem>>) target_semaphore(%arg7 : memref<!tpu.dma_semaphore, #tpu.memory_space<semaphore_mem>>)
    %get3A_224 = arith.constant 0 : index
    %get3A_225 = tpu.vector_load %arg5[%get3A_224] {strides = array<i32>} : memref<32xi32, #tpu.memory_space<vmem>>, vector<16xi32>,
    %get3A_226 = vector.shape_cast %get3A_225 : vector<16xi32> to vector<16xi32>
    %slice3A_227 = vector.extract_strided_slice %get3A_226 {offsets = [15], sizes = [1], strides = [1]} : vector<16xi32> to vector<1xi32>
    %squeeze3A_228 = vector.extract %slice3A_227[0] : i32 from vector<1xi32>
    %dma_start3A_229 = arith.constant 15 : i32
    %dma_start3A_230 = arith.constant 0 : i32
    %dma_start3A_231 = tpu.memref_slice %arg6[%dma_start3A_229, %dma_start3A_230] : memref<32x64xf32, #tpu.memory_space<vmem>> -> memref<1x64xf32, #tpu.memory_space<vmem>>
    %dma_start3A_232 = arith.constant 0 : i32
    %dma_start3A_233 = tpu.memref_slice %arg2[%squeeze3A_228, %dma_start3A_232] : memref<100000x64xf32, #tpu.memory_space<hbm>> -> memref<1x64xf32, #tpu.memory_space<hbm>>
    %dma_start3A_234 = arith.constant 15 : i32
    %dma_start3A_235 = arith.constant 0 : i32
    %dma_start3A_236 = tpu.memref_slice %arg6[%dma_start3A_234, %dma_start3A_235] : memref<32x64xf32, #tpu.memory_space<vmem>> -> memref<1x64xf32, #tpu.memory_space<vmem>>
    %dma_start3A_237 = arith.constant 0 : i32
    %dma_start3A_238 = tpu.memref_slice %arg2[%squeeze3A_228, %dma_start3A_237] : memref<100000x64xf32, #tpu.memory_space<hbm>> -> memref<1x64xf32, #tpu.memory_space<hbm>>
    tpu.enqueue_dma source(%dma_start3A_238 : memref<1x64xf32, #tpu.memory_space<hbm>>) target(%dma_start3A_236 : memref<1x64xf32, #tpu.memory_space<vmem>>) target_semaphore(%arg7 : memref<!tpu.dma_semaphore, #tpu.memory_space<semaphore_mem>>)
    %get3A_239 = arith.constant 16 : index
    %get3A_240 = tpu.vector_load %arg5[%get3A_239] {strides = array<i32>} : memref<32xi32, #tpu.memory_space<vmem>>, vector<16xi32>,
    %get3A_241 = vector.shape_cast %get3A_240 : vector<16xi32> to vector<16xi32>
    %slice3A_242 = vector.extract_strided_slice %get3A_241 {offsets = [0], sizes = [1], strides = [1]} : vector<16xi32> to vector<1xi32>
    %squeeze3A_243 = vector.extract %slice3A_242[0] : i32 from vector<1xi32>
    %dma_start3A_244 = arith.constant 16 : i32
    %dma_start3A_245 = arith.constant 0 : i32
    %dma_start3A_246 = tpu.memref_slice %arg6[%dma_start3A_244, %dma_start3A_245] : memref<32x64xf32, #tpu.memory_space<vmem>> -> memref<1x64xf32, #tpu.memory_space<vmem>>
    %dma_start3A_247 = arith.constant 0 : i32
    %dma_start3A_248 = tpu.memref_slice %arg2[%squeeze3A_243, %dma_start3A_247] : memref<100000x64xf32, #tpu.memory_space<hbm>> -> memref<1x64xf32, #tpu.memory_space<hbm>>
    %dma_start3A_249 = arith.constant 16 : i32
    %dma_start3A_250 = arith.constant 0 : i32
    %dma_start3A_251 = tpu.memref_slice %arg6[%dma_start3A_249, %dma_start3A_250] : memref<32x64xf32, #tpu.memory_space<vmem>> -> memref<1x64xf32, #tpu.memory_space<vmem>>
    %dma_start3A_252 = arith.constant 0 : i32
    %dma_start3A_253 = tpu.memref_slice %arg2[%squeeze3A_243, %dma_start3A_252] : memref<100000x64xf32, #tpu.memory_space<hbm>> -> memref<1x64xf32, #tpu.memory_space<hbm>>
    tpu.enqueue_dma source(%dma_start3A_253 : memref<1x64xf32, #tpu.memory_space<hbm>>) target(%dma_start3A_251 : memref<1x64xf32, #tpu.memory_space<vmem>>) target_semaphore(%arg7 : memref<!tpu.dma_semaphore, #tpu.memory_space<semaphore_mem>>)
    %get3A_254 = arith.constant 16 : index
    %get3A_255 = tpu.vector_load %arg5[%get3A_254] {strides = array<i32>} : memref<32xi32, #tpu.memory_space<vmem>>, vector<16xi32>,
    %get3A_256 = vector.shape_cast %get3A_255 : vector<16xi32> to vector<16xi32>
    %slice3A_257 = vector.extract_strided_slice %get3A_256 {offsets = [1], sizes = [1], strides = [1]} : vector<16xi32> to vector<1xi32>
    %squeeze3A_258 = vector.extract %slice3A_257[0] : i32 from vector<1xi32>
    %dma_start3A_259 = arith.constant 17 : i32
    %dma_start3A_260 = arith.constant 0 : i32
    %dma_start3A_261 = tpu.memref_slice %arg6[%dma_start3A_259, %dma_start3A_260] : memref<32x64xf32, #tpu.memory_space<vmem>> -> memref<1x64xf32, #tpu.memory_space<vmem>>
    %dma_start3A_262 = arith.constant 0 : i32
    %dma_start3A_263 = tpu.memref_slice %arg2[%squeeze3A_258, %dma_start3A_262] : memref<100000x64xf32, #tpu.memory_space<hbm>> -> memref<1x64xf32, #tpu.memory_space<hbm>>
    %dma_start3A_264 = arith.constant 17 : i32
    %dma_start3A_265 = arith.constant 0 : i32
    %dma_start3A_266 = tpu.memref_slice %arg6[%dma_start3A_264, %dma_start3A_265] : memref<32x64xf32, #tpu.memory_space<vmem>> -> memref<1x64xf32, #tpu.memory_space<vmem>>
    %dma_start3A_267 = arith.constant 0 : i32
    %dma_start3A_268 = tpu.memref_slice %arg2[%squeeze3A_258, %dma_start3A_267] : memref<100000x64xf32, #tpu.memory_space<hbm>> -> memref<1x64xf32, #tpu.memory_space<hbm>>
    tpu.enqueue_dma source(%dma_start3A_268 : memref<1x64xf32, #tpu.memory_space<hbm>>) target(%dma_start3A_266 : memref<1x64xf32, #tpu.memory_space<vmem>>) target_semaphore(%arg7 : memref<!tpu.dma_semaphore, #tpu.memory_space<semaphore_mem>>)
    %get3A_269 = arith.constant 16 : index
    %get3A_270 = tpu.vector_load %arg5[%get3A_269] {strides = array<i32>} : memref<32xi32, #tpu.memory_space<vmem>>, vector<16xi32>,
    %get3A_271 = vector.shape_cast %get3A_270 : vector<16xi32> to vector<16xi32>
    %slice3A_272 = vector.extract_strided_slice %get3A_271 {offsets = [2], sizes = [1], strides = [1]} : vector<16xi32> to vector<1xi32>
    %squeeze3A_273 = vector.extract %slice3A_272[0] : i32 from vector<1xi32>
    %dma_start3A_274 = arith.constant 18 : i32
    %dma_start3A_275 = arith.constant 0 : i32
    %dma_start3A_276 = tpu.memref_slice %arg6[%dma_start3A_274, %dma_start3A_275] : memref<32x64xf32, #tpu.memory_space<vmem>> -> memref<1x64xf32, #tpu.memory_space<vmem>>
    %dma_start3A_277 = arith.constant 0 : i32
    %dma_start3A_278 = tpu.memref_slice %arg2[%squeeze3A_273, %dma_start3A_277] : memref<100000x64xf32, #tpu.memory_space<hbm>> -> memref<1x64xf32, #tpu.memory_space<hbm>>
    %dma_start3A_279 = arith.constant 18 : i32
    %dma_start3A_280 = arith.constant 0 : i32
    %dma_start3A_281 = tpu.memref_slice %arg6[%dma_start3A_279, %dma_start3A_280] : memref<32x64xf32, #tpu.memory_space<vmem>> -> memref<1x64xf32, #tpu.memory_space<vmem>>
    %dma_start3A_282 = arith.constant 0 : i32
    %dma_start3A_283 = tpu.memref_slice %arg2[%squeeze3A_273, %dma_start3A_282] : memref<100000x64xf32, #tpu.memory_space<hbm>> -> memref<1x64xf32, #tpu.memory_space<hbm>>
    tpu.enqueue_dma source(%dma_start3A_283 : memref<1x64xf32, #tpu.memory_space<hbm>>) target(%dma_start3A_281 : memref<1x64xf32, #tpu.memory_space<vmem>>) target_semaphore(%arg7 : memref<!tpu.dma_semaphore, #tpu.memory_space<semaphore_mem>>)
    %get3A_284 = arith.constant 16 : index
    %get3A_285 = tpu.vector_load %arg5[%get3A_284] {strides = array<i32>} : memref<32xi32, #tpu.memory_space<vmem>>, vector<16xi32>,
    %get3A_286 = vector.shape_cast %get3A_285 : vector<16xi32> to vector<16xi32>
    %slice3A_287 = vector.extract_strided_slice %get3A_286 {offsets = [3], sizes = [1], strides = [1]} : vector<16xi32> to vector<1xi32>
    %squeeze3A_288 = vector.extract %slice3A_287[0] : i32 from vector<1xi32>
    %dma_start3A_289 = arith.constant 19 : i32
    %dma_start3A_290 = arith.constant 0 : i32
    %dma_start3A_291 = tpu.memref_slice %arg6[%dma_start3A_289, %dma_start3A_290] : memref<32x64xf32, #tpu.memory_space<vmem>> -> memref<1x64xf32, #tpu.memory_space<vmem>>
    %dma_start3A_292 = arith.constant 0 : i32
    %dma_start3A_293 = tpu.memref_slice %arg2[%squeeze3A_288, %dma_start3A_292] : memref<100000x64xf32, #tpu.memory_space<hbm>> -> memref<1x64xf32, #tpu.memory_space<hbm>>
    %dma_start3A_294 = arith.constant 19 : i32
    %dma_start3A_295 = arith.constant 0 : i32
    %dma_start3A_296 = tpu.memref_slice %arg6[%dma_start3A_294, %dma_start3A_295] : memref<32x64xf32, #tpu.memory_space<vmem>> -> memref<1x64xf32, #tpu.memory_space<vmem>>
    %dma_start3A_297 = arith.constant 0 : i32
    %dma_start3A_298 = tpu.memref_slice %arg2[%squeeze3A_288, %dma_start3A_297] : memref<100000x64xf32, #tpu.memory_space<hbm>> -> memref<1x64xf32, #tpu.memory_space<hbm>>
    tpu.enqueue_dma source(%dma_start3A_298 : memref<1x64xf32, #tpu.memory_space<hbm>>) target(%dma_start3A_296 : memref<1x64xf32, #tpu.memory_space<vmem>>) target_semaphore(%arg7 : memref<!tpu.dma_semaphore, #tpu.memory_space<semaphore_mem>>)
    %get3A_299 = arith.constant 16 : index
    %get3A_300 = tpu.vector_load %arg5[%get3A_299] {strides = array<i32>} : memref<32xi32, #tpu.memory_space<vmem>>, vector<16xi32>,
    %get3A_301 = vector.shape_cast %get3A_300 : vector<16xi32> to vector<16xi32>
    %slice3A_302 = vector.extract_strided_slice %get3A_301 {offsets = [4], sizes = [1], strides = [1]} : vector<16xi32> to vector<1xi32>
    %squeeze3A_303 = vector.extract %slice3A_302[0] : i32 from vector<1xi32>
    %dma_start3A_304 = arith.constant 20 : i32
    %dma_start3A_305 = arith.constant 0 : i32
    %dma_start3A_306 = tpu.memref_slice %arg6[%dma_start3A_304, %dma_start3A_305] : memref<32x64xf32, #tpu.memory_space<vmem>> -> memref<1x64xf32, #tpu.memory_space<vmem>>
    %dma_start3A_307 = arith.constant 0 : i32
    %dma_start3A_308 = tpu.memref_slice %arg2[%squeeze3A_303, %dma_start3A_307] : memref<100000x64xf32, #tpu.memory_space<hbm>> -> memref<1x64xf32, #tpu.memory_space<hbm>>
    %dma_start3A_309 = arith.constant 20 : i32
    %dma_start3A_310 = arith.constant 0 : i32
    %dma_start3A_311 = tpu.memref_slice %arg6[%dma_start3A_309, %dma_start3A_310] : memref<32x64xf32, #tpu.memory_space<vmem>> -> memref<1x64xf32, #tpu.memory_space<vmem>>
    %dma_start3A_312 = arith.constant 0 : i32
    %dma_start3A_313 = tpu.memref_slice %arg2[%squeeze3A_303, %dma_start3A_312] : memref<100000x64xf32, #tpu.memory_space<hbm>> -> memref<1x64xf32, #tpu.memory_space<hbm>>
    tpu.enqueue_dma source(%dma_start3A_313 : memref<1x64xf32, #tpu.memory_space<hbm>>) target(%dma_start3A_311 : memref<1x64xf32, #tpu.memory_space<vmem>>) target_semaphore(%arg7 : memref<!tpu.dma_semaphore, #tpu.memory_space<semaphore_mem>>)
    %get3A_314 = arith.constant 16 : index
    %get3A_315 = tpu.vector_load %arg5[%get3A_314] {strides = array<i32>} : memref<32xi32, #tpu.memory_space<vmem>>, vector<16xi32>,
    %get3A_316 = vector.shape_cast %get3A_315 : vector<16xi32> to vector<16xi32>
    %slice3A_317 = vector.extract_strided_slice %get3A_316 {offsets = [5], sizes = [1], strides = [1]} : vector<16xi32> to vector<1xi32>
    %squeeze3A_318 = vector.extract %slice3A_317[0] : i32 from vector<1xi32>
    %dma_start3A_319 = arith.constant 21 : i32
    %dma_start3A_320 = arith.constant 0 : i32
    %dma_start3A_321 = tpu.memref_slice %arg6[%dma_start3A_319, %dma_start3A_320] : memref<32x64xf32, #tpu.memory_space<vmem>> -> memref<1x64xf32, #tpu.memory_space<vmem>>
    %dma_start3A_322 = arith.constant 0 : i32
    %dma_start3A_323 = tpu.memref_slice %arg2[%squeeze3A_318, %dma_start3A_322] : memref<100000x64xf32, #tpu.memory_space<hbm>> -> memref<1x64xf32, #tpu.memory_space<hbm>>
    %dma_start3A_324 = arith.constant 21 : i32
    %dma_start3A_325 = arith.constant 0 : i32
    %dma_start3A_326 = tpu.memref_slice %arg6[%dma_start3A_324, %dma_start3A_325] : memref<32x64xf32, #tpu.memory_space<vmem>> -> memref<1x64xf32, #tpu.memory_space<vmem>>
    %dma_start3A_327 = arith.constant 0 : i32
    %dma_start3A_328 = tpu.memref_slice %arg2[%squeeze3A_318, %dma_start3A_327] : memref<100000x64xf32, #tpu.memory_space<hbm>> -> memref<1x64xf32, #tpu.memory_space<hbm>>
    tpu.enqueue_dma source(%dma_start3A_328 : memref<1x64xf32, #tpu.memory_space<hbm>>) target(%dma_start3A_326 : memref<1x64xf32, #tpu.memory_space<vmem>>) target_semaphore(%arg7 : memref<!tpu.dma_semaphore, #tpu.memory_space<semaphore_mem>>)
    %get3A_329 = arith.constant 16 : index
    %get3A_330 = tpu.vector_load %arg5[%get3A_329] {strides = array<i32>} : memref<32xi32, #tpu.memory_space<vmem>>, vector<16xi32>,
    %get3A_331 = vector.shape_cast %get3A_330 : vector<16xi32> to vector<16xi32>
    %slice3A_332 = vector.extract_strided_slice %get3A_331 {offsets = [6], sizes = [1], strides = [1]} : vector<16xi32> to vector<1xi32>
    %squeeze3A_333 = vector.extract %slice3A_332[0] : i32 from vector<1xi32>
    %dma_start3A_334 = arith.constant 22 : i32
    %dma_start3A_335 = arith.constant 0 : i32
    %dma_start3A_336 = tpu.memref_slice %arg6[%dma_start3A_334, %dma_start3A_335] : memref<32x64xf32, #tpu.memory_space<vmem>> -> memref<1x64xf32, #tpu.memory_space<vmem>>
    %dma_start3A_337 = arith.constant 0 : i32
    %dma_start3A_338 = tpu.memref_slice %arg2[%squeeze3A_333, %dma_start3A_337] : memref<100000x64xf32, #tpu.memory_space<hbm>> -> memref<1x64xf32, #tpu.memory_space<hbm>>
    %dma_start3A_339 = arith.constant 22 : i32
    %dma_start3A_340 = arith.constant 0 : i32
    %dma_start3A_341 = tpu.memref_slice %arg6[%dma_start3A_339, %dma_start3A_340] : memref<32x64xf32, #tpu.memory_space<vmem>> -> memref<1x64xf32, #tpu.memory_space<vmem>>
    %dma_start3A_342 = arith.constant 0 : i32
    %dma_start3A_343 = tpu.memref_slice %arg2[%squeeze3A_333, %dma_start3A_342] : memref<100000x64xf32, #tpu.memory_space<hbm>> -> memref<1x64xf32, #tpu.memory_space<hbm>>
    tpu.enqueue_dma source(%dma_start3A_343 : memref<1x64xf32, #tpu.memory_space<hbm>>) target(%dma_start3A_341 : memref<1x64xf32, #tpu.memory_space<vmem>>) target_semaphore(%arg7 : memref<!tpu.dma_semaphore, #tpu.memory_space<semaphore_mem>>)
    %get3A_344 = arith.constant 16 : index
    %get3A_345 = tpu.vector_load %arg5[%get3A_344] {strides = array<i32>} : memref<32xi32, #tpu.memory_space<vmem>>, vector<16xi32>,
    %get3A_346 = vector.shape_cast %get3A_345 : vector<16xi32> to vector<16xi32>
    %slice3A_347 = vector.extract_strided_slice %get3A_346 {offsets = [7], sizes = [1], strides = [1]} : vector<16xi32> to vector<1xi32>
    %squeeze3A_348 = vector.extract %slice3A_347[0] : i32 from vector<1xi32>
    %dma_start3A_349 = arith.constant 23 : i32
    %dma_start3A_350 = arith.constant 0 : i32
    %dma_start3A_351 = tpu.memref_slice %arg6[%dma_start3A_349, %dma_start3A_350] : memref<32x64xf32, #tpu.memory_space<vmem>> -> memref<1x64xf32, #tpu.memory_space<vmem>>
    %dma_start3A_352 = arith.constant 0 : i32
    %dma_start3A_353 = tpu.memref_slice %arg2[%squeeze3A_348, %dma_start3A_352] : memref<100000x64xf32, #tpu.memory_space<hbm>> -> memref<1x64xf32, #tpu.memory_space<hbm>>
    %dma_start3A_354 = arith.constant 23 : i32
    %dma_start3A_355 = arith.constant 0 : i32
    %dma_start3A_356 = tpu.memref_slice %arg6[%dma_start3A_354, %dma_start3A_355] : memref<32x64xf32, #tpu.memory_space<vmem>> -> memref<1x64xf32, #tpu.memory_space<vmem>>
    %dma_start3A_357 = arith.constant 0 : i32
    %dma_start3A_358 = tpu.memref_slice %arg2[%squeeze3A_348, %dma_start3A_357] : memref<100000x64xf32, #tpu.memory_space<hbm>> -> memref<1x64xf32, #tpu.memory_space<hbm>>
    tpu.enqueue_dma source(%dma_start3A_358 : memref<1x64xf32, #tpu.memory_space<hbm>>) target(%dma_start3A_356 : memref<1x64xf32, #tpu.memory_space<vmem>>) target_semaphore(%arg7 : memref<!tpu.dma_semaphore, #tpu.memory_space<semaphore_mem>>)
    %get3A_359 = arith.constant 16 : index
    %get3A_360 = tpu.vector_load %arg5[%get3A_359] {strides = array<i32>} : memref<32xi32, #tpu.memory_space<vmem>>, vector<16xi32>,
    %get3A_361 = vector.shape_cast %get3A_360 : vector<16xi32> to vector<16xi32>
    %slice3A_362 = vector.extract_strided_slice %get3A_361 {offsets = [8], sizes = [1], strides = [1]} : vector<16xi32> to vector<1xi32>
    %squeeze3A_363 = vector.extract %slice3A_362[0] : i32 from vector<1xi32>
    %dma_start3A_364 = arith.constant 24 : i32
    %dma_start3A_365 = arith.constant 0 : i32
    %dma_start3A_366 = tpu.memref_slice %arg6[%dma_start3A_364, %dma_start3A_365] : memref<32x64xf32, #tpu.memory_space<vmem>> -> memref<1x64xf32, #tpu.memory_space<vmem>>
    %dma_start3A_367 = arith.constant 0 : i32
    %dma_start3A_368 = tpu.memref_slice %arg2[%squeeze3A_363, %dma_start3A_367] : memref<100000x64xf32, #tpu.memory_space<hbm>> -> memref<1x64xf32, #tpu.memory_space<hbm>>
    %dma_start3A_369 = arith.constant 24 : i32
    %dma_start3A_370 = arith.constant 0 : i32
    %dma_start3A_371 = tpu.memref_slice %arg6[%dma_start3A_369, %dma_start3A_370] : memref<32x64xf32, #tpu.memory_space<vmem>> -> memref<1x64xf32, #tpu.memory_space<vmem>>
    %dma_start3A_372 = arith.constant 0 : i32
    %dma_start3A_373 = tpu.memref_slice %arg2[%squeeze3A_363, %dma_start3A_372] : memref<100000x64xf32, #tpu.memory_space<hbm>> -> memref<1x64xf32, #tpu.memory_space<hbm>>
    tpu.enqueue_dma source(%dma_start3A_373 : memref<1x64xf32, #tpu.memory_space<hbm>>) target(%dma_start3A_371 : memref<1x64xf32, #tpu.memory_space<vmem>>) target_semaphore(%arg7 : memref<!tpu.dma_semaphore, #tpu.memory_space<semaphore_mem>>)
    %get3A_374 = arith.constant 16 : index
    %get3A_375 = tpu.vector_load %arg5[%get3A_374] {strides = array<i32>} : memref<32xi32, #tpu.memory_space<vmem>>, vector<16xi32>,
    %get3A_376 = vector.shape_cast %get3A_375 : vector<16xi32> to vector<16xi32>
    %slice3A_377 = vector.extract_strided_slice %get3A_376 {offsets = [9], sizes = [1], strides = [1]} : vector<16xi32> to vector<1xi32>
    %squeeze3A_378 = vector.extract %slice3A_377[0] : i32 from vector<1xi32>
    %dma_start3A_379 = arith.constant 25 : i32
    %dma_start3A_380 = arith.constant 0 : i32
    %dma_start3A_381 = tpu.memref_slice %arg6[%dma_start3A_379, %dma_start3A_380] : memref<32x64xf32, #tpu.memory_space<vmem>> -> memref<1x64xf32, #tpu.memory_space<vmem>>
    %dma_start3A_382 = arith.constant 0 : i32
    %dma_start3A_383 = tpu.memref_slice %arg2[%squeeze3A_378, %dma_start3A_382] : memref<100000x64xf32, #tpu.memory_space<hbm>> -> memref<1x64xf32, #tpu.memory_space<hbm>>
    %dma_start3A_384 = arith.constant 25 : i32
    %dma_start3A_385 = arith.constant 0 : i32
    %dma_start3A_386 = tpu.memref_slice %arg6[%dma_start3A_384, %dma_start3A_385] : memref<32x64xf32, #tpu.memory_space<vmem>> -> memref<1x64xf32, #tpu.memory_space<vmem>>
    %dma_start3A_387 = arith.constant 0 : i32
    %dma_start3A_388 = tpu.memref_slice %arg2[%squeeze3A_378, %dma_start3A_387] : memref<100000x64xf32, #tpu.memory_space<hbm>> -> memref<1x64xf32, #tpu.memory_space<hbm>>
    tpu.enqueue_dma source(%dma_start3A_388 : memref<1x64xf32, #tpu.memory_space<hbm>>) target(%dma_start3A_386 : memref<1x64xf32, #tpu.memory_space<vmem>>) target_semaphore(%arg7 : memref<!tpu.dma_semaphore, #tpu.memory_space<semaphore_mem>>)
    %get3A_389 = arith.constant 16 : index
    %get3A_390 = tpu.vector_load %arg5[%get3A_389] {strides = array<i32>} : memref<32xi32, #tpu.memory_space<vmem>>, vector<16xi32>,
    %get3A_391 = vector.shape_cast %get3A_390 : vector<16xi32> to vector<16xi32>
    %slice3A_392 = vector.extract_strided_slice %get3A_391 {offsets = [10], sizes = [1], strides = [1]} : vector<16xi32> to vector<1xi32>
    %squeeze3A_393 = vector.extract %slice3A_392[0] : i32 from vector<1xi32>
    %dma_start3A_394 = arith.constant 26 : i32
    %dma_start3A_395 = arith.constant 0 : i32
    %dma_start3A_396 = tpu.memref_slice %arg6[%dma_start3A_394, %dma_start3A_395] : memref<32x64xf32, #tpu.memory_space<vmem>> -> memref<1x64xf32, #tpu.memory_space<vmem>>
    %dma_start3A_397 = arith.constant 0 : i32
    %dma_start3A_398 = tpu.memref_slice %arg2[%squeeze3A_393, %dma_start3A_397] : memref<100000x64xf32, #tpu.memory_space<hbm>> -> memref<1x64xf32, #tpu.memory_space<hbm>>
    %dma_start3A_399 = arith.constant 26 : i32
    %dma_start3A_400 = arith.constant 0 : i32
    %dma_start3A_401 = tpu.memref_slice %arg6[%dma_start3A_399, %dma_start3A_400] : memref<32x64xf32, #tpu.memory_space<vmem>> -> memref<1x64xf32, #tpu.memory_space<vmem>>
    %dma_start3A_402 = arith.constant 0 : i32
    %dma_start3A_403 = tpu.memref_slice %arg2[%squeeze3A_393, %dma_start3A_402] : memref<100000x64xf32, #tpu.memory_space<hbm>> -> memref<1x64xf32, #tpu.memory_space<hbm>>
    tpu.enqueue_dma source(%dma_start3A_403 : memref<1x64xf32, #tpu.memory_space<hbm>>) target(%dma_start3A_401 : memref<1x64xf32, #tpu.memory_space<vmem>>) target_semaphore(%arg7 : memref<!tpu.dma_semaphore, #tpu.memory_space<semaphore_mem>>)
    %get3A_404 = arith.constant 16 : index
    %get3A_405 = tpu.vector_load %arg5[%get3A_404] {strides = array<i32>} : memref<32xi32, #tpu.memory_space<vmem>>, vector<16xi32>,
    %get3A_406 = vector.shape_cast %get3A_405 : vector<16xi32> to vector<16xi32>
    %slice3A_407 = vector.extract_strided_slice %get3A_406 {offsets = [11], sizes = [1], strides = [1]} : vector<16xi32> to vector<1xi32>
    %squeeze3A_408 = vector.extract %slice3A_407[0] : i32 from vector<1xi32>
    %dma_start3A_409 = arith.constant 27 : i32
    %dma_start3A_410 = arith.constant 0 : i32
    %dma_start3A_411 = tpu.memref_slice %arg6[%dma_start3A_409, %dma_start3A_410] : memref<32x64xf32, #tpu.memory_space<vmem>> -> memref<1x64xf32, #tpu.memory_space<vmem>>
    %dma_start3A_412 = arith.constant 0 : i32
    %dma_start3A_413 = tpu.memref_slice %arg2[%squeeze3A_408, %dma_start3A_412] : memref<100000x64xf32, #tpu.memory_space<hbm>> -> memref<1x64xf32, #tpu.memory_space<hbm>>
    %dma_start3A_414 = arith.constant 27 : i32
    %dma_start3A_415 = arith.constant 0 : i32
    %dma_start3A_416 = tpu.memref_slice %arg6[%dma_start3A_414, %dma_start3A_415] : memref<32x64xf32, #tpu.memory_space<vmem>> -> memref<1x64xf32, #tpu.memory_space<vmem>>
    %dma_start3A_417 = arith.constant 0 : i32
    %dma_start3A_418 = tpu.memref_slice %arg2[%squeeze3A_408, %dma_start3A_417] : memref<100000x64xf32, #tpu.memory_space<hbm>> -> memref<1x64xf32, #tpu.memory_space<hbm>>
    tpu.enqueue_dma source(%dma_start3A_418 : memref<1x64xf32, #tpu.memory_space<hbm>>) target(%dma_start3A_416 : memref<1x64xf32, #tpu.memory_space<vmem>>) target_semaphore(%arg7 : memref<!tpu.dma_semaphore, #tpu.memory_space<semaphore_mem>>)
    %get3A_419 = arith.constant 16 : index
    %get3A_420 = tpu.vector_load %arg5[%get3A_419] {strides = array<i32>} : memref<32xi32, #tpu.memory_space<vmem>>, vector<16xi32>,
    %get3A_421 = vector.shape_cast %get3A_420 : vector<16xi32> to vector<16xi32>
    %slice3A_422 = vector.extract_strided_slice %get3A_421 {offsets = [12], sizes = [1], strides = [1]} : vector<16xi32> to vector<1xi32>
    %squeeze3A_423 = vector.extract %slice3A_422[0] : i32 from vector<1xi32>
    %dma_start3A_424 = arith.constant 28 : i32
    %dma_start3A_425 = arith.constant 0 : i32
    %dma_start3A_426 = tpu.memref_slice %arg6[%dma_start3A_424, %dma_start3A_425] : memref<32x64xf32, #tpu.memory_space<vmem>> -> memref<1x64xf32, #tpu.memory_space<vmem>>
    %dma_start3A_427 = arith.constant 0 : i32
    %dma_start3A_428 = tpu.memref_slice %arg2[%squeeze3A_423, %dma_start3A_427] : memref<100000x64xf32, #tpu.memory_space<hbm>> -> memref<1x64xf32, #tpu.memory_space<hbm>>
    %dma_start3A_429 = arith.constant 28 : i32
    %dma_start3A_430 = arith.constant 0 : i32
    %dma_start3A_431 = tpu.memref_slice %arg6[%dma_start3A_429, %dma_start3A_430] : memref<32x64xf32, #tpu.memory_space<vmem>> -> memref<1x64xf32, #tpu.memory_space<vmem>>
    %dma_start3A_432 = arith.constant 0 : i32
    %dma_start3A_433 = tpu.memref_slice %arg2[%squeeze3A_423, %dma_start3A_432] : memref<100000x64xf32, #tpu.memory_space<hbm>> -> memref<1x64xf32, #tpu.memory_space<hbm>>
    tpu.enqueue_dma source(%dma_start3A_433 : memref<1x64xf32, #tpu.memory_space<hbm>>) target(%dma_start3A_431 : memref<1x64xf32, #tpu.memory_space<vmem>>) target_semaphore(%arg7 : memref<!tpu.dma_semaphore, #tpu.memory_space<semaphore_mem>>)
    %get3A_434 = arith.constant 16 : index
    %get3A_435 = tpu.vector_load %arg5[%get3A_434] {strides = array<i32>} : memref<32xi32, #tpu.memory_space<vmem>>, vector<16xi32>,
    %get3A_436 = vector.shape_cast %get3A_435 : vector<16xi32> to vector<16xi32>
    %slice3A_437 = vector.extract_strided_slice %get3A_436 {offsets = [13], sizes = [1], strides = [1]} : vector<16xi32> to vector<1xi32>
    %squeeze3A_438 = vector.extract %slice3A_437[0] : i32 from vector<1xi32>
    %dma_start3A_439 = arith.constant 29 : i32
    %dma_start3A_440 = arith.constant 0 : i32
    %dma_start3A_441 = tpu.memref_slice %arg6[%dma_start3A_439, %dma_start3A_440] : memref<32x64xf32, #tpu.memory_space<vmem>> -> memref<1x64xf32, #tpu.memory_space<vmem>>
    %dma_start3A_442 = arith.constant 0 : i32
    %dma_start3A_443 = tpu.memref_slice %arg2[%squeeze3A_438, %dma_start3A_442] : memref<100000x64xf32, #tpu.memory_space<hbm>> -> memref<1x64xf32, #tpu.memory_space<hbm>>
    %dma_start3A_444 = arith.constant 29 : i32
    %dma_start3A_445 = arith.constant 0 : i32
    %dma_start3A_446 = tpu.memref_slice %arg6[%dma_start3A_444, %dma_start3A_445] : memref<32x64xf32, #tpu.memory_space<vmem>> -> memref<1x64xf32, #tpu.memory_space<vmem>>
    %dma_start3A_447 = arith.constant 0 : i32
    %dma_start3A_448 = tpu.memref_slice %arg2[%squeeze3A_438, %dma_start3A_447] : memref<100000x64xf32, #tpu.memory_space<hbm>> -> memref<1x64xf32, #tpu.memory_space<hbm>>
    tpu.enqueue_dma source(%dma_start3A_448 : memref<1x64xf32, #tpu.memory_space<hbm>>) target(%dma_start3A_446 : memref<1x64xf32, #tpu.memory_space<vmem>>) target_semaphore(%arg7 : memref<!tpu.dma_semaphore, #tpu.memory_space<semaphore_mem>>)
    %get3A_449 = arith.constant 16 : index
    %get3A_450 = tpu.vector_load %arg5[%get3A_449] {strides = array<i32>} : memref<32xi32, #tpu.memory_space<vmem>>, vector<16xi32>,
    %get3A_451 = vector.shape_cast %get3A_450 : vector<16xi32> to vector<16xi32>
    %slice3A_452 = vector.extract_strided_slice %get3A_451 {offsets = [14], sizes = [1], strides = [1]} : vector<16xi32> to vector<1xi32>
    %squeeze3A_453 = vector.extract %slice3A_452[0] : i32 from vector<1xi32>
    %dma_start3A_454 = arith.constant 30 : i32
    %dma_start3A_455 = arith.constant 0 : i32
    %dma_start3A_456 = tpu.memref_slice %arg6[%dma_start3A_454, %dma_start3A_455] : memref<32x64xf32, #tpu.memory_space<vmem>> -> memref<1x64xf32, #tpu.memory_space<vmem>>
    %dma_start3A_457 = arith.constant 0 : i32
    %dma_start3A_458 = tpu.memref_slice %arg2[%squeeze3A_453, %dma_start3A_457] : memref<100000x64xf32, #tpu.memory_space<hbm>> -> memref<1x64xf32, #tpu.memory_space<hbm>>
    %dma_start3A_459 = arith.constant 30 : i32
    %dma_start3A_460 = arith.constant 0 : i32
    %dma_start3A_461 = tpu.memref_slice %arg6[%dma_start3A_459, %dma_start3A_460] : memref<32x64xf32, #tpu.memory_space<vmem>> -> memref<1x64xf32, #tpu.memory_space<vmem>>
    %dma_start3A_462 = arith.constant 0 : i32
    %dma_start3A_463 = tpu.memref_slice %arg2[%squeeze3A_453, %dma_start3A_462] : memref<100000x64xf32, #tpu.memory_space<hbm>> -> memref<1x64xf32, #tpu.memory_space<hbm>>
    tpu.enqueue_dma source(%dma_start3A_463 : memref<1x64xf32, #tpu.memory_space<hbm>>) target(%dma_start3A_461 : memref<1x64xf32, #tpu.memory_space<vmem>>) target_semaphore(%arg7 : memref<!tpu.dma_semaphore, #tpu.memory_space<semaphore_mem>>)
    %get3A_464 = arith.constant 16 : index
    %get3A_465 = tpu.vector_load %arg5[%get3A_464] {strides = array<i32>} : memref<32xi32, #tpu.memory_space<vmem>>, vector<16xi32>,
    %get3A_466 = vector.shape_cast %get3A_465 : vector<16xi32> to vector<16xi32>
    %slice3A_467 = vector.extract_strided_slice %get3A_466 {offsets = [15], sizes = [1], strides = [1]} : vector<16xi32> to vector<1xi32>
    %squeeze3A_468 = vector.extract %slice3A_467[0] : i32 from vector<1xi32>
    %dma_start3A_469 = arith.constant 31 : i32
    %dma_start3A_470 = arith.constant 0 : i32
    %dma_start3A_471 = tpu.memref_slice %arg6[%dma_start3A_469, %dma_start3A_470] : memref<32x64xf32, #tpu.memory_space<vmem>> -> memref<1x64xf32, #tpu.memory_space<vmem>>
    %dma_start3A_472 = arith.constant 0 : i32
    %dma_start3A_473 = tpu.memref_slice %arg2[%squeeze3A_468, %dma_start3A_472] : memref<100000x64xf32, #tpu.memory_space<hbm>> -> memref<1x64xf32, #tpu.memory_space<hbm>>
    %dma_start3A_474 = arith.constant 31 : i32
    %dma_start3A_475 = arith.constant 0 : i32
    %dma_start3A_476 = tpu.memref_slice %arg6[%dma_start3A_474, %dma_start3A_475] : memref<32x64xf32, #tpu.memory_space<vmem>> -> memref<1x64xf32, #tpu.memory_space<vmem>>
    %dma_start3A_477 = arith.constant 0 : i32
    %dma_start3A_478 = tpu.memref_slice %arg2[%squeeze3A_468, %dma_start3A_477] : memref<100000x64xf32, #tpu.memory_space<hbm>> -> memref<1x64xf32, #tpu.memory_space<hbm>>
    tpu.enqueue_dma source(%dma_start3A_478 : memref<1x64xf32, #tpu.memory_space<hbm>>) target(%dma_start3A_476 : memref<1x64xf32, #tpu.memory_space<vmem>>) target_semaphore(%arg7 : memref<!tpu.dma_semaphore, #tpu.memory_space<semaphore_mem>>)
    %dma_wait3A = arith.constant 0 : i32
    %dma_wait3A_479 = arith.constant 0 : i32
    %dma_wait3A_480 = tpu.memref_slice %arg6[%dma_wait3A, %dma_wait3A_479] : memref<32x64xf32, #tpu.memory_space<vmem>> -> memref<1x64xf32, #tpu.memory_space<vmem>>
    %dma_wait3A_481 = arith.constant 0 : i32
    %dma_wait3A_482 = tpu.memref_slice %arg2[%squeeze3A, %dma_wait3A_481] : memref<100000x64xf32, #tpu.memory_space<hbm>> -> memref<1x64xf32, #tpu.memory_space<hbm>>
    %dma_wait3A_483 = arith.constant 0 : i32
    %dma_wait3A_484 = arith.constant 0 : i32
    %dma_wait3A_485 = tpu.memref_slice %arg6[%dma_wait3A_483, %dma_wait3A_484] : memref<32x64xf32, #tpu.memory_space<vmem>> -> memref<1x64xf32, #tpu.memory_space<vmem>>
    %dma_wait3A_486 = arith.constant 0 : i32
    %dma_wait3A_487 = tpu.memref_slice %arg2[%squeeze3A, %dma_wait3A_486] : memref<100000x64xf32, #tpu.memory_space<hbm>> -> memref<1x64xf32, #tpu.memory_space<hbm>>
    tpu.wait_dma2 semaphore(%arg7 : memref<!tpu.dma_semaphore, #tpu.memory_space<semaphore_mem>>) src(%dma_wait3A_487 : memref<1x64xf32, #tpu.memory_space<hbm>>) dst(%dma_wait3A_485 : memref<1x64xf32, #tpu.memory_space<vmem>>)
    %dma_wait3A_488 = arith.constant 1 : i32
    %dma_wait3A_489 = arith.constant 0 : i32
    %dma_wait3A_490 = tpu.memref_slice %arg6[%dma_wait3A_488, %dma_wait3A_489] : memref<32x64xf32, #tpu.memory_space<vmem>> -> memref<1x64xf32, #tpu.memory_space<vmem>>
    %dma_wait3A_491 = arith.constant 0 : i32
    %dma_wait3A_492 = tpu.memref_slice %arg2[%squeeze3A_18, %dma_wait3A_491] : memref<100000x64xf32, #tpu.memory_space<hbm>> -> memref<1x64xf32, #tpu.memory_space<hbm>>
    %dma_wait3A_493 = arith.constant 1 : i32
    %dma_wait3A_494 = arith.constant 0 : i32
    %dma_wait3A_495 = tpu.memref_slice %arg6[%dma_wait3A_493, %dma_wait3A_494] : memref<32x64xf32, #tpu.memory_space<vmem>> -> memref<1x64xf32, #tpu.memory_space<vmem>>
    %dma_wait3A_496 = arith.constant 0 : i32
    %dma_wait3A_497 = tpu.memref_slice %arg2[%squeeze3A_18, %dma_wait3A_496] : memref<100000x64xf32, #tpu.memory_space<hbm>> -> memref<1x64xf32, #tpu.memory_space<hbm>>
    tpu.wait_dma2 semaphore(%arg7 : memref<!tpu.dma_semaphore, #tpu.memory_space<semaphore_mem>>) src(%dma_wait3A_497 : memref<1x64xf32, #tpu.memory_space<hbm>>) dst(%dma_wait3A_495 : memref<1x64xf32, #tpu.memory_space<vmem>>)
    %dma_wait3A_498 = arith.constant 2 : i32
    %dma_wait3A_499 = arith.constant 0 : i32
    %dma_wait3A_500 = tpu.memref_slice %arg6[%dma_wait3A_498, %dma_wait3A_499] : memref<32x64xf32, #tpu.memory_space<vmem>> -> memref<1x64xf32, #tpu.memory_space<vmem>>
    %dma_wait3A_501 = arith.constant 0 : i32
    %dma_wait3A_502 = tpu.memref_slice %arg2[%squeeze3A_33, %dma_wait3A_501] : memref<100000x64xf32, #tpu.memory_space<hbm>> -> memref<1x64xf32, #tpu.memory_space<hbm>>
    %dma_wait3A_503 = arith.constant 2 : i32
    %dma_wait3A_504 = arith.constant 0 : i32
    %dma_wait3A_505 = tpu.memref_slice %arg6[%dma_wait3A_503, %dma_wait3A_504] : memref<32x64xf32, #tpu.memory_space<vmem>> -> memref<1x64xf32, #tpu.memory_space<vmem>>
    %dma_wait3A_506 = arith.constant 0 : i32
    %dma_wait3A_507 = tpu.memref_slice %arg2[%squeeze3A_33, %dma_wait3A_506] : memref<100000x64xf32, #tpu.memory_space<hbm>> -> memref<1x64xf32, #tpu.memory_space<hbm>>
    tpu.wait_dma2 semaphore(%arg7 : memref<!tpu.dma_semaphore, #tpu.memory_space<semaphore_mem>>) src(%dma_wait3A_507 : memref<1x64xf32, #tpu.memory_space<hbm>>) dst(%dma_wait3A_505 : memref<1x64xf32, #tpu.memory_space<vmem>>)
    %dma_wait3A_508 = arith.constant 3 : i32
    %dma_wait3A_509 = arith.constant 0 : i32
    %dma_wait3A_510 = tpu.memref_slice %arg6[%dma_wait3A_508, %dma_wait3A_509] : memref<32x64xf32, #tpu.memory_space<vmem>> -> memref<1x64xf32, #tpu.memory_space<vmem>>
    %dma_wait3A_511 = arith.constant 0 : i32
    %dma_wait3A_512 = tpu.memref_slice %arg2[%squeeze3A_48, %dma_wait3A_511] : memref<100000x64xf32, #tpu.memory_space<hbm>> -> memref<1x64xf32, #tpu.memory_space<hbm>>
    %dma_wait3A_513 = arith.constant 3 : i32
    %dma_wait3A_514 = arith.constant 0 : i32
    %dma_wait3A_515 = tpu.memref_slice %arg6[%dma_wait3A_513, %dma_wait3A_514] : memref<32x64xf32, #tpu.memory_space<vmem>> -> memref<1x64xf32, #tpu.memory_space<vmem>>
    %dma_wait3A_516 = arith.constant 0 : i32
    %dma_wait3A_517 = tpu.memref_slice %arg2[%squeeze3A_48, %dma_wait3A_516] : memref<100000x64xf32, #tpu.memory_space<hbm>> -> memref<1x64xf32, #tpu.memory_space<hbm>>
    tpu.wait_dma2 semaphore(%arg7 : memref<!tpu.dma_semaphore, #tpu.memory_space<semaphore_mem>>) src(%dma_wait3A_517 : memref<1x64xf32, #tpu.memory_space<hbm>>) dst(%dma_wait3A_515 : memref<1x64xf32, #tpu.memory_space<vmem>>)
    %dma_wait3A_518 = arith.constant 4 : i32
    %dma_wait3A_519 = arith.constant 0 : i32
    %dma_wait3A_520 = tpu.memref_slice %arg6[%dma_wait3A_518, %dma_wait3A_519] : memref<32x64xf32, #tpu.memory_space<vmem>> -> memref<1x64xf32, #tpu.memory_space<vmem>>
    %dma_wait3A_521 = arith.constant 0 : i32
    %dma_wait3A_522 = tpu.memref_slice %arg2[%squeeze3A_63, %dma_wait3A_521] : memref<100000x64xf32, #tpu.memory_space<hbm>> -> memref<1x64xf32, #tpu.memory_space<hbm>>
    %dma_wait3A_523 = arith.constant 4 : i32
    %dma_wait3A_524 = arith.constant 0 : i32
    %dma_wait3A_525 = tpu.memref_slice %arg6[%dma_wait3A_523, %dma_wait3A_524] : memref<32x64xf32, #tpu.memory_space<vmem>> -> memref<1x64xf32, #tpu.memory_space<vmem>>
    %dma_wait3A_526 = arith.constant 0 : i32
    %dma_wait3A_527 = tpu.memref_slice %arg2[%squeeze3A_63, %dma_wait3A_526] : memref<100000x64xf32, #tpu.memory_space<hbm>> -> memref<1x64xf32, #tpu.memory_space<hbm>>
    tpu.wait_dma2 semaphore(%arg7 : memref<!tpu.dma_semaphore, #tpu.memory_space<semaphore_mem>>) src(%dma_wait3A_527 : memref<1x64xf32, #tpu.memory_space<hbm>>) dst(%dma_wait3A_525 : memref<1x64xf32, #tpu.memory_space<vmem>>)
    %dma_wait3A_528 = arith.constant 5 : i32
    %dma_wait3A_529 = arith.constant 0 : i32
    %dma_wait3A_530 = tpu.memref_slice %arg6[%dma_wait3A_528, %dma_wait3A_529] : memref<32x64xf32, #tpu.memory_space<vmem>> -> memref<1x64xf32, #tpu.memory_space<vmem>>
    %dma_wait3A_531 = arith.constant 0 : i32
    %dma_wait3A_532 = tpu.memref_slice %arg2[%squeeze3A_78, %dma_wait3A_531] : memref<100000x64xf32, #tpu.memory_space<hbm>> -> memref<1x64xf32, #tpu.memory_space<hbm>>
    %dma_wait3A_533 = arith.constant 5 : i32
    %dma_wait3A_534 = arith.constant 0 : i32
    %dma_wait3A_535 = tpu.memref_slice %arg6[%dma_wait3A_533, %dma_wait3A_534] : memref<32x64xf32, #tpu.memory_space<vmem>> -> memref<1x64xf32, #tpu.memory_space<vmem>>
    %dma_wait3A_536 = arith.constant 0 : i32
    %dma_wait3A_537 = tpu.memref_slice %arg2[%squeeze3A_78, %dma_wait3A_536] : memref<100000x64xf32, #tpu.memory_space<hbm>> -> memref<1x64xf32, #tpu.memory_space<hbm>>
    tpu.wait_dma2 semaphore(%arg7 : memref<!tpu.dma_semaphore, #tpu.memory_space<semaphore_mem>>) src(%dma_wait3A_537 : memref<1x64xf32, #tpu.memory_space<hbm>>) dst(%dma_wait3A_535 : memref<1x64xf32, #tpu.memory_space<vmem>>)
    %dma_wait3A_538 = arith.constant 6 : i32
    %dma_wait3A_539 = arith.constant 0 : i32
    %dma_wait3A_540 = tpu.memref_slice %arg6[%dma_wait3A_538, %dma_wait3A_539] : memref<32x64xf32, #tpu.memory_space<vmem>> -> memref<1x64xf32, #tpu.memory_space<vmem>>
    %dma_wait3A_541 = arith.constant 0 : i32
    %dma_wait3A_542 = tpu.memref_slice %arg2[%squeeze3A_93, %dma_wait3A_541] : memref<100000x64xf32, #tpu.memory_space<hbm>> -> memref<1x64xf32, #tpu.memory_space<hbm>>
    %dma_wait3A_543 = arith.constant 6 : i32
    %dma_wait3A_544 = arith.constant 0 : i32
    %dma_wait3A_545 = tpu.memref_slice %arg6[%dma_wait3A_543, %dma_wait3A_544] : memref<32x64xf32, #tpu.memory_space<vmem>> -> memref<1x64xf32, #tpu.memory_space<vmem>>
    %dma_wait3A_546 = arith.constant 0 : i32
    %dma_wait3A_547 = tpu.memref_slice %arg2[%squeeze3A_93, %dma_wait3A_546] : memref<100000x64xf32, #tpu.memory_space<hbm>> -> memref<1x64xf32, #tpu.memory_space<hbm>>
    tpu.wait_dma2 semaphore(%arg7 : memref<!tpu.dma_semaphore, #tpu.memory_space<semaphore_mem>>) src(%dma_wait3A_547 : memref<1x64xf32, #tpu.memory_space<hbm>>) dst(%dma_wait3A_545 : memref<1x64xf32, #tpu.memory_space<vmem>>)
    %dma_wait3A_548 = arith.constant 7 : i32
    %dma_wait3A_549 = arith.constant 0 : i32
    %dma_wait3A_550 = tpu.memref_slice %arg6[%dma_wait3A_548, %dma_wait3A_549] : memref<32x64xf32, #tpu.memory_space<vmem>> -> memref<1x64xf32, #tpu.memory_space<vmem>>
    %dma_wait3A_551 = arith.constant 0 : i32
    %dma_wait3A_552 = tpu.memref_slice %arg2[%squeeze3A_108, %dma_wait3A_551] : memref<100000x64xf32, #tpu.memory_space<hbm>> -> memref<1x64xf32, #tpu.memory_space<hbm>>
    %dma_wait3A_553 = arith.constant 7 : i32
    %dma_wait3A_554 = arith.constant 0 : i32
    %dma_wait3A_555 = tpu.memref_slice %arg6[%dma_wait3A_553, %dma_wait3A_554] : memref<32x64xf32, #tpu.memory_space<vmem>> -> memref<1x64xf32, #tpu.memory_space<vmem>>
    %dma_wait3A_556 = arith.constant 0 : i32
    %dma_wait3A_557 = tpu.memref_slice %arg2[%squeeze3A_108, %dma_wait3A_556] : memref<100000x64xf32, #tpu.memory_space<hbm>> -> memref<1x64xf32, #tpu.memory_space<hbm>>
    tpu.wait_dma2 semaphore(%arg7 : memref<!tpu.dma_semaphore, #tpu.memory_space<semaphore_mem>>) src(%dma_wait3A_557 : memref<1x64xf32, #tpu.memory_space<hbm>>) dst(%dma_wait3A_555 : memref<1x64xf32, #tpu.memory_space<vmem>>)
    %dma_wait3A_558 = arith.constant 8 : i32
    %dma_wait3A_559 = arith.constant 0 : i32
    %dma_wait3A_560 = tpu.memref_slice %arg6[%dma_wait3A_558, %dma_wait3A_559] : memref<32x64xf32, #tpu.memory_space<vmem>> -> memref<1x64xf32, #tpu.memory_space<vmem>>
    %dma_wait3A_561 = arith.constant 0 : i32
    %dma_wait3A_562 = tpu.memref_slice %arg2[%squeeze3A_123, %dma_wait3A_561] : memref<100000x64xf32, #tpu.memory_space<hbm>> -> memref<1x64xf32, #tpu.memory_space<hbm>>
    %dma_wait3A_563 = arith.constant 8 : i32
    %dma_wait3A_564 = arith.constant 0 : i32
    %dma_wait3A_565 = tpu.memref_slice %arg6[%dma_wait3A_563, %dma_wait3A_564] : memref<32x64xf32, #tpu.memory_space<vmem>> -> memref<1x64xf32, #tpu.memory_space<vmem>>
    %dma_wait3A_566 = arith.constant 0 : i32
    %dma_wait3A_567 = tpu.memref_slice %arg2[%squeeze3A_123, %dma_wait3A_566] : memref<100000x64xf32, #tpu.memory_space<hbm>> -> memref<1x64xf32, #tpu.memory_space<hbm>>
    tpu.wait_dma2 semaphore(%arg7 : memref<!tpu.dma_semaphore, #tpu.memory_space<semaphore_mem>>) src(%dma_wait3A_567 : memref<1x64xf32, #tpu.memory_space<hbm>>) dst(%dma_wait3A_565 : memref<1x64xf32, #tpu.memory_space<vmem>>)
    %dma_wait3A_568 = arith.constant 9 : i32
    %dma_wait3A_569 = arith.constant 0 : i32
    %dma_wait3A_570 = tpu.memref_slice %arg6[%dma_wait3A_568, %dma_wait3A_569] : memref<32x64xf32, #tpu.memory_space<vmem>> -> memref<1x64xf32, #tpu.memory_space<vmem>>
    %dma_wait3A_571 = arith.constant 0 : i32
    %dma_wait3A_572 = tpu.memref_slice %arg2[%squeeze3A_138, %dma_wait3A_571] : memref<100000x64xf32, #tpu.memory_space<hbm>> -> memref<1x64xf32, #tpu.memory_space<hbm>>
    %dma_wait3A_573 = arith.constant 9 : i32
    %dma_wait3A_574 = arith.constant 0 : i32
    %dma_wait3A_575 = tpu.memref_slice %arg6[%dma_wait3A_573, %dma_wait3A_574] : memref<32x64xf32, #tpu.memory_space<vmem>> -> memref<1x64xf32, #tpu.memory_space<vmem>>
    %dma_wait3A_576 = arith.constant 0 : i32
    %dma_wait3A_577 = tpu.memref_slice %arg2[%squeeze3A_138, %dma_wait3A_576] : memref<100000x64xf32, #tpu.memory_space<hbm>> -> memref<1x64xf32, #tpu.memory_space<hbm>>
    tpu.wait_dma2 semaphore(%arg7 : memref<!tpu.dma_semaphore, #tpu.memory_space<semaphore_mem>>) src(%dma_wait3A_577 : memref<1x64xf32, #tpu.memory_space<hbm>>) dst(%dma_wait3A_575 : memref<1x64xf32, #tpu.memory_space<vmem>>)
    %dma_wait3A_578 = arith.constant 10 : i32
    %dma_wait3A_579 = arith.constant 0 : i32
    %dma_wait3A_580 = tpu.memref_slice %arg6[%dma_wait3A_578, %dma_wait3A_579] : memref<32x64xf32, #tpu.memory_space<vmem>> -> memref<1x64xf32, #tpu.memory_space<vmem>>
    %dma_wait3A_581 = arith.constant 0 : i32
    %dma_wait3A_582 = tpu.memref_slice %arg2[%squeeze3A_153, %dma_wait3A_581] : memref<100000x64xf32, #tpu.memory_space<hbm>> -> memref<1x64xf32, #tpu.memory_space<hbm>>
    %dma_wait3A_583 = arith.constant 10 : i32
    %dma_wait3A_584 = arith.constant 0 : i32
    %dma_wait3A_585 = tpu.memref_slice %arg6[%dma_wait3A_583, %dma_wait3A_584] : memref<32x64xf32, #tpu.memory_space<vmem>> -> memref<1x64xf32, #tpu.memory_space<vmem>>
    %dma_wait3A_586 = arith.constant 0 : i32
    %dma_wait3A_587 = tpu.memref_slice %arg2[%squeeze3A_153, %dma_wait3A_586] : memref<100000x64xf32, #tpu.memory_space<hbm>> -> memref<1x64xf32, #tpu.memory_space<hbm>>
    tpu.wait_dma2 semaphore(%arg7 : memref<!tpu.dma_semaphore, #tpu.memory_space<semaphore_mem>>) src(%dma_wait3A_587 : memref<1x64xf32, #tpu.memory_space<hbm>>) dst(%dma_wait3A_585 : memref<1x64xf32, #tpu.memory_space<vmem>>)
    %dma_wait3A_588 = arith.constant 11 : i32
    %dma_wait3A_589 = arith.constant 0 : i32
    %dma_wait3A_590 = tpu.memref_slice %arg6[%dma_wait3A_588, %dma_wait3A_589] : memref<32x64xf32, #tpu.memory_space<vmem>> -> memref<1x64xf32, #tpu.memory_space<vmem>>
    %dma_wait3A_591 = arith.constant 0 : i32
    %dma_wait3A_592 = tpu.memref_slice %arg2[%squeeze3A_168, %dma_wait3A_591] : memref<100000x64xf32, #tpu.memory_space<hbm>> -> memref<1x64xf32, #tpu.memory_space<hbm>>
    %dma_wait3A_593 = arith.constant 11 : i32
    %dma_wait3A_594 = arith.constant 0 : i32
    %dma_wait3A_595 = tpu.memref_slice %arg6[%dma_wait3A_593, %dma_wait3A_594] : memref<32x64xf32, #tpu.memory_space<vmem>> -> memref<1x64xf32, #tpu.memory_space<vmem>>
    %dma_wait3A_596 = arith.constant 0 : i32
    %dma_wait3A_597 = tpu.memref_slice %arg2[%squeeze3A_168, %dma_wait3A_596] : memref<100000x64xf32, #tpu.memory_space<hbm>> -> memref<1x64xf32, #tpu.memory_space<hbm>>
    tpu.wait_dma2 semaphore(%arg7 : memref<!tpu.dma_semaphore, #tpu.memory_space<semaphore_mem>>) src(%dma_wait3A_597 : memref<1x64xf32, #tpu.memory_space<hbm>>) dst(%dma_wait3A_595 : memref<1x64xf32, #tpu.memory_space<vmem>>)
    %dma_wait3A_598 = arith.constant 12 : i32
    %dma_wait3A_599 = arith.constant 0 : i32
    %dma_wait3A_600 = tpu.memref_slice %arg6[%dma_wait3A_598, %dma_wait3A_599] : memref<32x64xf32, #tpu.memory_space<vmem>> -> memref<1x64xf32, #tpu.memory_space<vmem>>
    %dma_wait3A_601 = arith.constant 0 : i32
    %dma_wait3A_602 = tpu.memref_slice %arg2[%squeeze3A_183, %dma_wait3A_601] : memref<100000x64xf32, #tpu.memory_space<hbm>> -> memref<1x64xf32, #tpu.memory_space<hbm>>
    %dma_wait3A_603 = arith.constant 12 : i32
    %dma_wait3A_604 = arith.constant 0 : i32
    %dma_wait3A_605 = tpu.memref_slice %arg6[%dma_wait3A_603, %dma_wait3A_604] : memref<32x64xf32, #tpu.memory_space<vmem>> -> memref<1x64xf32, #tpu.memory_space<vmem>>
    %dma_wait3A_606 = arith.constant 0 : i32
    %dma_wait3A_607 = tpu.memref_slice %arg2[%squeeze3A_183, %dma_wait3A_606] : memref<100000x64xf32, #tpu.memory_space<hbm>> -> memref<1x64xf32, #tpu.memory_space<hbm>>
    tpu.wait_dma2 semaphore(%arg7 : memref<!tpu.dma_semaphore, #tpu.memory_space<semaphore_mem>>) src(%dma_wait3A_607 : memref<1x64xf32, #tpu.memory_space<hbm>>) dst(%dma_wait3A_605 : memref<1x64xf32, #tpu.memory_space<vmem>>)
    %dma_wait3A_608 = arith.constant 13 : i32
    %dma_wait3A_609 = arith.constant 0 : i32
    %dma_wait3A_610 = tpu.memref_slice %arg6[%dma_wait3A_608, %dma_wait3A_609] : memref<32x64xf32, #tpu.memory_space<vmem>> -> memref<1x64xf32, #tpu.memory_space<vmem>>
    %dma_wait3A_611 = arith.constant 0 : i32
    %dma_wait3A_612 = tpu.memref_slice %arg2[%squeeze3A_198, %dma_wait3A_611] : memref<100000x64xf32, #tpu.memory_space<hbm>> -> memref<1x64xf32, #tpu.memory_space<hbm>>
    %dma_wait3A_613 = arith.constant 13 : i32
    %dma_wait3A_614 = arith.constant 0 : i32
    %dma_wait3A_615 = tpu.memref_slice %arg6[%dma_wait3A_613, %dma_wait3A_614] : memref<32x64xf32, #tpu.memory_space<vmem>> -> memref<1x64xf32, #tpu.memory_space<vmem>>
    %dma_wait3A_616 = arith.constant 0 : i32
    %dma_wait3A_617 = tpu.memref_slice %arg2[%squeeze3A_198, %dma_wait3A_616] : memref<100000x64xf32, #tpu.memory_space<hbm>> -> memref<1x64xf32, #tpu.memory_space<hbm>>
    tpu.wait_dma2 semaphore(%arg7 : memref<!tpu.dma_semaphore, #tpu.memory_space<semaphore_mem>>) src(%dma_wait3A_617 : memref<1x64xf32, #tpu.memory_space<hbm>>) dst(%dma_wait3A_615 : memref<1x64xf32, #tpu.memory_space<vmem>>)
    %dma_wait3A_618 = arith.constant 14 : i32
    %dma_wait3A_619 = arith.constant 0 : i32
    %dma_wait3A_620 = tpu.memref_slice %arg6[%dma_wait3A_618, %dma_wait3A_619] : memref<32x64xf32, #tpu.memory_space<vmem>> -> memref<1x64xf32, #tpu.memory_space<vmem>>
    %dma_wait3A_621 = arith.constant 0 : i32
    %dma_wait3A_622 = tpu.memref_slice %arg2[%squeeze3A_213, %dma_wait3A_621] : memref<100000x64xf32, #tpu.memory_space<hbm>> -> memref<1x64xf32, #tpu.memory_space<hbm>>
    %dma_wait3A_623 = arith.constant 14 : i32
    %dma_wait3A_624 = arith.constant 0 : i32
    %dma_wait3A_625 = tpu.memref_slice %arg6[%dma_wait3A_623, %dma_wait3A_624] : memref<32x64xf32, #tpu.memory_space<vmem>> -> memref<1x64xf32, #tpu.memory_space<vmem>>
    %dma_wait3A_626 = arith.constant 0 : i32
    %dma_wait3A_627 = tpu.memref_slice %arg2[%squeeze3A_213, %dma_wait3A_626] : memref<100000x64xf32, #tpu.memory_space<hbm>> -> memref<1x64xf32, #tpu.memory_space<hbm>>
    tpu.wait_dma2 semaphore(%arg7 : memref<!tpu.dma_semaphore, #tpu.memory_space<semaphore_mem>>) src(%dma_wait3A_627 : memref<1x64xf32, #tpu.memory_space<hbm>>) dst(%dma_wait3A_625 : memref<1x64xf32, #tpu.memory_space<vmem>>)
    %dma_wait3A_628 = arith.constant 15 : i32
    %dma_wait3A_629 = arith.constant 0 : i32
    %dma_wait3A_630 = tpu.memref_slice %arg6[%dma_wait3A_628, %dma_wait3A_629] : memref<32x64xf32, #tpu.memory_space<vmem>> -> memref<1x64xf32, #tpu.memory_space<vmem>>
    %dma_wait3A_631 = arith.constant 0 : i32
    %dma_wait3A_632 = tpu.memref_slice %arg2[%squeeze3A_228, %dma_wait3A_631] : memref<100000x64xf32, #tpu.memory_space<hbm>> -> memref<1x64xf32, #tpu.memory_space<hbm>>
    %dma_wait3A_633 = arith.constant 15 : i32
    %dma_wait3A_634 = arith.constant 0 : i32
    %dma_wait3A_635 = tpu.memref_slice %arg6[%dma_wait3A_633, %dma_wait3A_634] : memref<32x64xf32, #tpu.memory_space<vmem>> -> memref<1x64xf32, #tpu.memory_space<vmem>>
    %dma_wait3A_636 = arith.constant 0 : i32
    %dma_wait3A_637 = tpu.memref_slice %arg2[%squeeze3A_228, %dma_wait3A_636] : memref<100000x64xf32, #tpu.memory_space<hbm>> -> memref<1x64xf32, #tpu.memory_space<hbm>>
    tpu.wait_dma2 semaphore(%arg7 : memref<!tpu.dma_semaphore, #tpu.memory_space<semaphore_mem>>) src(%dma_wait3A_637 : memref<1x64xf32, #tpu.memory_space<hbm>>) dst(%dma_wait3A_635 : memref<1x64xf32, #tpu.memory_space<vmem>>)
    %dma_wait3A_638 = arith.constant 16 : i32
    %dma_wait3A_639 = arith.constant 0 : i32
    %dma_wait3A_640 = tpu.memref_slice %arg6[%dma_wait3A_638, %dma_wait3A_639] : memref<32x64xf32, #tpu.memory_space<vmem>> -> memref<1x64xf32, #tpu.memory_space<vmem>>
    %dma_wait3A_641 = arith.constant 0 : i32
    %dma_wait3A_642 = tpu.memref_slice %arg2[%squeeze3A_243, %dma_wait3A_641] : memref<100000x64xf32, #tpu.memory_space<hbm>> -> memref<1x64xf32, #tpu.memory_space<hbm>>
    %dma_wait3A_643 = arith.constant 16 : i32
    %dma_wait3A_644 = arith.constant 0 : i32
    %dma_wait3A_645 = tpu.memref_slice %arg6[%dma_wait3A_643, %dma_wait3A_644] : memref<32x64xf32, #tpu.memory_space<vmem>> -> memref<1x64xf32, #tpu.memory_space<vmem>>
    %dma_wait3A_646 = arith.constant 0 : i32
    %dma_wait3A_647 = tpu.memref_slice %arg2[%squeeze3A_243, %dma_wait3A_646] : memref<100000x64xf32, #tpu.memory_space<hbm>> -> memref<1x64xf32, #tpu.memory_space<hbm>>
    tpu.wait_dma2 semaphore(%arg7 : memref<!tpu.dma_semaphore, #tpu.memory_space<semaphore_mem>>) src(%dma_wait3A_647 : memref<1x64xf32, #tpu.memory_space<hbm>>) dst(%dma_wait3A_645 : memref<1x64xf32, #tpu.memory_space<vmem>>)
    %dma_wait3A_648 = arith.constant 17 : i32
    %dma_wait3A_649 = arith.constant 0 : i32
    %dma_wait3A_650 = tpu.memref_slice %arg6[%dma_wait3A_648, %dma_wait3A_649] : memref<32x64xf32, #tpu.memory_space<vmem>> -> memref<1x64xf32, #tpu.memory_space<vmem>>
    %dma_wait3A_651 = arith.constant 0 : i32
    %dma_wait3A_652 = tpu.memref_slice %arg2[%squeeze3A_258, %dma_wait3A_651] : memref<100000x64xf32, #tpu.memory_space<hbm>> -> memref<1x64xf32, #tpu.memory_space<hbm>>
    %dma_wait3A_653 = arith.constant 17 : i32
    %dma_wait3A_654 = arith.constant 0 : i32
    %dma_wait3A_655 = tpu.memref_slice %arg6[%dma_wait3A_653, %dma_wait3A_654] : memref<32x64xf32, #tpu.memory_space<vmem>> -> memref<1x64xf32, #tpu.memory_space<vmem>>
    %dma_wait3A_656 = arith.constant 0 : i32
    %dma_wait3A_657 = tpu.memref_slice %arg2[%squeeze3A_258, %dma_wait3A_656] : memref<100000x64xf32, #tpu.memory_space<hbm>> -> memref<1x64xf32, #tpu.memory_space<hbm>>
    tpu.wait_dma2 semaphore(%arg7 : memref<!tpu.dma_semaphore, #tpu.memory_space<semaphore_mem>>) src(%dma_wait3A_657 : memref<1x64xf32, #tpu.memory_space<hbm>>) dst(%dma_wait3A_655 : memref<1x64xf32, #tpu.memory_space<vmem>>)
    %dma_wait3A_658 = arith.constant 18 : i32
    %dma_wait3A_659 = arith.constant 0 : i32
    %dma_wait3A_660 = tpu.memref_slice %arg6[%dma_wait3A_658, %dma_wait3A_659] : memref<32x64xf32, #tpu.memory_space<vmem>> -> memref<1x64xf32, #tpu.memory_space<vmem>>
    %dma_wait3A_661 = arith.constant 0 : i32
    %dma_wait3A_662 = tpu.memref_slice %arg2[%squeeze3A_273, %dma_wait3A_661] : memref<100000x64xf32, #tpu.memory_space<hbm>> -> memref<1x64xf32, #tpu.memory_space<hbm>>
    %dma_wait3A_663 = arith.constant 18 : i32
    %dma_wait3A_664 = arith.constant 0 : i32
    %dma_wait3A_665 = tpu.memref_slice %arg6[%dma_wait3A_663, %dma_wait3A_664] : memref<32x64xf32, #tpu.memory_space<vmem>> -> memref<1x64xf32, #tpu.memory_space<vmem>>
    %dma_wait3A_666 = arith.constant 0 : i32
    %dma_wait3A_667 = tpu.memref_slice %arg2[%squeeze3A_273, %dma_wait3A_666] : memref<100000x64xf32, #tpu.memory_space<hbm>> -> memref<1x64xf32, #tpu.memory_space<hbm>>
    tpu.wait_dma2 semaphore(%arg7 : memref<!tpu.dma_semaphore, #tpu.memory_space<semaphore_mem>>) src(%dma_wait3A_667 : memref<1x64xf32, #tpu.memory_space<hbm>>) dst(%dma_wait3A_665 : memref<1x64xf32, #tpu.memory_space<vmem>>)
    %dma_wait3A_668 = arith.constant 19 : i32
    %dma_wait3A_669 = arith.constant 0 : i32
    %dma_wait3A_670 = tpu.memref_slice %arg6[%dma_wait3A_668, %dma_wait3A_669] : memref<32x64xf32, #tpu.memory_space<vmem>> -> memref<1x64xf32, #tpu.memory_space<vmem>>
    %dma_wait3A_671 = arith.constant 0 : i32
    %dma_wait3A_672 = tpu.memref_slice %arg2[%squeeze3A_288, %dma_wait3A_671] : memref<100000x64xf32, #tpu.memory_space<hbm>> -> memref<1x64xf32, #tpu.memory_space<hbm>>
    %dma_wait3A_673 = arith.constant 19 : i32
    %dma_wait3A_674 = arith.constant 0 : i32
    %dma_wait3A_675 = tpu.memref_slice %arg6[%dma_wait3A_673, %dma_wait3A_674] : memref<32x64xf32, #tpu.memory_space<vmem>> -> memref<1x64xf32, #tpu.memory_space<vmem>>
    %dma_wait3A_676 = arith.constant 0 : i32
    %dma_wait3A_677 = tpu.memref_slice %arg2[%squeeze3A_288, %dma_wait3A_676] : memref<100000x64xf32, #tpu.memory_space<hbm>> -> memref<1x64xf32, #tpu.memory_space<hbm>>
    tpu.wait_dma2 semaphore(%arg7 : memref<!tpu.dma_semaphore, #tpu.memory_space<semaphore_mem>>) src(%dma_wait3A_677 : memref<1x64xf32, #tpu.memory_space<hbm>>) dst(%dma_wait3A_675 : memref<1x64xf32, #tpu.memory_space<vmem>>)
    %dma_wait3A_678 = arith.constant 20 : i32
    %dma_wait3A_679 = arith.constant 0 : i32
    %dma_wait3A_680 = tpu.memref_slice %arg6[%dma_wait3A_678, %dma_wait3A_679] : memref<32x64xf32, #tpu.memory_space<vmem>> -> memref<1x64xf32, #tpu.memory_space<vmem>>
    %dma_wait3A_681 = arith.constant 0 : i32
    %dma_wait3A_682 = tpu.memref_slice %arg2[%squeeze3A_303, %dma_wait3A_681] : memref<100000x64xf32, #tpu.memory_space<hbm>> -> memref<1x64xf32, #tpu.memory_space<hbm>>
    %dma_wait3A_683 = arith.constant 20 : i32
    %dma_wait3A_684 = arith.constant 0 : i32
    %dma_wait3A_685 = tpu.memref_slice %arg6[%dma_wait3A_683, %dma_wait3A_684] : memref<32x64xf32, #tpu.memory_space<vmem>> -> memref<1x64xf32, #tpu.memory_space<vmem>>
    %dma_wait3A_686 = arith.constant 0 : i32
    %dma_wait3A_687 = tpu.memref_slice %arg2[%squeeze3A_303, %dma_wait3A_686] : memref<100000x64xf32, #tpu.memory_space<hbm>> -> memref<1x64xf32, #tpu.memory_space<hbm>>
    tpu.wait_dma2 semaphore(%arg7 : memref<!tpu.dma_semaphore, #tpu.memory_space<semaphore_mem>>) src(%dma_wait3A_687 : memref<1x64xf32, #tpu.memory_space<hbm>>) dst(%dma_wait3A_685 : memref<1x64xf32, #tpu.memory_space<vmem>>)
    %dma_wait3A_688 = arith.constant 21 : i32
    %dma_wait3A_689 = arith.constant 0 : i32
    %dma_wait3A_690 = tpu.memref_slice %arg6[%dma_wait3A_688, %dma_wait3A_689] : memref<32x64xf32, #tpu.memory_space<vmem>> -> memref<1x64xf32, #tpu.memory_space<vmem>>
    %dma_wait3A_691 = arith.constant 0 : i32
    %dma_wait3A_692 = tpu.memref_slice %arg2[%squeeze3A_318, %dma_wait3A_691] : memref<100000x64xf32, #tpu.memory_space<hbm>> -> memref<1x64xf32, #tpu.memory_space<hbm>>
    %dma_wait3A_693 = arith.constant 21 : i32
    %dma_wait3A_694 = arith.constant 0 : i32
    %dma_wait3A_695 = tpu.memref_slice %arg6[%dma_wait3A_693, %dma_wait3A_694] : memref<32x64xf32, #tpu.memory_space<vmem>> -> memref<1x64xf32, #tpu.memory_space<vmem>>
    %dma_wait3A_696 = arith.constant 0 : i32
    %dma_wait3A_697 = tpu.memref_slice %arg2[%squeeze3A_318, %dma_wait3A_696] : memref<100000x64xf32, #tpu.memory_space<hbm>> -> memref<1x64xf32, #tpu.memory_space<hbm>>
    tpu.wait_dma2 semaphore(%arg7 : memref<!tpu.dma_semaphore, #tpu.memory_space<semaphore_mem>>) src(%dma_wait3A_697 : memref<1x64xf32, #tpu.memory_space<hbm>>) dst(%dma_wait3A_695 : memref<1x64xf32, #tpu.memory_space<vmem>>)
    %dma_wait3A_698 = arith.constant 22 : i32
    %dma_wait3A_699 = arith.constant 0 : i32
    %dma_wait3A_700 = tpu.memref_slice %arg6[%dma_wait3A_698, %dma_wait3A_699] : memref<32x64xf32, #tpu.memory_space<vmem>> -> memref<1x64xf32, #tpu.memory_space<vmem>>
    %dma_wait3A_701 = arith.constant 0 : i32
    %dma_wait3A_702 = tpu.memref_slice %arg2[%squeeze3A_333, %dma_wait3A_701] : memref<100000x64xf32, #tpu.memory_space<hbm>> -> memref<1x64xf32, #tpu.memory_space<hbm>>
    %dma_wait3A_703 = arith.constant 22 : i32
    %dma_wait3A_704 = arith.constant 0 : i32
    %dma_wait3A_705 = tpu.memref_slice %arg6[%dma_wait3A_703, %dma_wait3A_704] : memref<32x64xf32, #tpu.memory_space<vmem>> -> memref<1x64xf32, #tpu.memory_space<vmem>>
    %dma_wait3A_706 = arith.constant 0 : i32
    %dma_wait3A_707 = tpu.memref_slice %arg2[%squeeze3A_333, %dma_wait3A_706] : memref<100000x64xf32, #tpu.memory_space<hbm>> -> memref<1x64xf32, #tpu.memory_space<hbm>>
    tpu.wait_dma2 semaphore(%arg7 : memref<!tpu.dma_semaphore, #tpu.memory_space<semaphore_mem>>) src(%dma_wait3A_707 : memref<1x64xf32, #tpu.memory_space<hbm>>) dst(%dma_wait3A_705 : memref<1x64xf32, #tpu.memory_space<vmem>>)
    %dma_wait3A_708 = arith.constant 23 : i32
    %dma_wait3A_709 = arith.constant 0 : i32
    %dma_wait3A_710 = tpu.memref_slice %arg6[%dma_wait3A_708, %dma_wait3A_709] : memref<32x64xf32, #tpu.memory_space<vmem>> -> memref<1x64xf32, #tpu.memory_space<vmem>>
    %dma_wait3A_711 = arith.constant 0 : i32
    %dma_wait3A_712 = tpu.memref_slice %arg2[%squeeze3A_348, %dma_wait3A_711] : memref<100000x64xf32, #tpu.memory_space<hbm>> -> memref<1x64xf32, #tpu.memory_space<hbm>>
    %dma_wait3A_713 = arith.constant 23 : i32
    %dma_wait3A_714 = arith.constant 0 : i32
    %dma_wait3A_715 = tpu.memref_slice %arg6[%dma_wait3A_713, %dma_wait3A_714] : memref<32x64xf32, #tpu.memory_space<vmem>> -> memref<1x64xf32, #tpu.memory_space<vmem>>
    %dma_wait3A_716 = arith.constant 0 : i32
    %dma_wait3A_717 = tpu.memref_slice %arg2[%squeeze3A_348, %dma_wait3A_716] : memref<100000x64xf32, #tpu.memory_space<hbm>> -> memref<1x64xf32, #tpu.memory_space<hbm>>
    tpu.wait_dma2 semaphore(%arg7 : memref<!tpu.dma_semaphore, #tpu.memory_space<semaphore_mem>>) src(%dma_wait3A_717 : memref<1x64xf32, #tpu.memory_space<hbm>>) dst(%dma_wait3A_715 : memref<1x64xf32, #tpu.memory_space<vmem>>)
    %dma_wait3A_718 = arith.constant 24 : i32
    %dma_wait3A_719 = arith.constant 0 : i32
    %dma_wait3A_720 = tpu.memref_slice %arg6[%dma_wait3A_718, %dma_wait3A_719] : memref<32x64xf32, #tpu.memory_space<vmem>> -> memref<1x64xf32, #tpu.memory_space<vmem>>
    %dma_wait3A_721 = arith.constant 0 : i32
    %dma_wait3A_722 = tpu.memref_slice %arg2[%squeeze3A_363, %dma_wait3A_721] : memref<100000x64xf32, #tpu.memory_space<hbm>> -> memref<1x64xf32, #tpu.memory_space<hbm>>
    %dma_wait3A_723 = arith.constant 24 : i32
    %dma_wait3A_724 = arith.constant 0 : i32
    %dma_wait3A_725 = tpu.memref_slice %arg6[%dma_wait3A_723, %dma_wait3A_724] : memref<32x64xf32, #tpu.memory_space<vmem>> -> memref<1x64xf32, #tpu.memory_space<vmem>>
    %dma_wait3A_726 = arith.constant 0 : i32
    %dma_wait3A_727 = tpu.memref_slice %arg2[%squeeze3A_363, %dma_wait3A_726] : memref<100000x64xf32, #tpu.memory_space<hbm>> -> memref<1x64xf32, #tpu.memory_space<hbm>>
    tpu.wait_dma2 semaphore(%arg7 : memref<!tpu.dma_semaphore, #tpu.memory_space<semaphore_mem>>) src(%dma_wait3A_727 : memref<1x64xf32, #tpu.memory_space<hbm>>) dst(%dma_wait3A_725 : memref<1x64xf32, #tpu.memory_space<vmem>>)
    %dma_wait3A_728 = arith.constant 25 : i32
    %dma_wait3A_729 = arith.constant 0 : i32
    %dma_wait3A_730 = tpu.memref_slice %arg6[%dma_wait3A_728, %dma_wait3A_729] : memref<32x64xf32, #tpu.memory_space<vmem>> -> memref<1x64xf32, #tpu.memory_space<vmem>>
    %dma_wait3A_731 = arith.constant 0 : i32
    %dma_wait3A_732 = tpu.memref_slice %arg2[%squeeze3A_378, %dma_wait3A_731] : memref<100000x64xf32, #tpu.memory_space<hbm>> -> memref<1x64xf32, #tpu.memory_space<hbm>>
    %dma_wait3A_733 = arith.constant 25 : i32
    %dma_wait3A_734 = arith.constant 0 : i32
    %dma_wait3A_735 = tpu.memref_slice %arg6[%dma_wait3A_733, %dma_wait3A_734] : memref<32x64xf32, #tpu.memory_space<vmem>> -> memref<1x64xf32, #tpu.memory_space<vmem>>
    %dma_wait3A_736 = arith.constant 0 : i32
    %dma_wait3A_737 = tpu.memref_slice %arg2[%squeeze3A_378, %dma_wait3A_736] : memref<100000x64xf32, #tpu.memory_space<hbm>> -> memref<1x64xf32, #tpu.memory_space<hbm>>
    tpu.wait_dma2 semaphore(%arg7 : memref<!tpu.dma_semaphore, #tpu.memory_space<semaphore_mem>>) src(%dma_wait3A_737 : memref<1x64xf32, #tpu.memory_space<hbm>>) dst(%dma_wait3A_735 : memref<1x64xf32, #tpu.memory_space<vmem>>)
    %dma_wait3A_738 = arith.constant 26 : i32
    %dma_wait3A_739 = arith.constant 0 : i32
    %dma_wait3A_740 = tpu.memref_slice %arg6[%dma_wait3A_738, %dma_wait3A_739] : memref<32x64xf32, #tpu.memory_space<vmem>> -> memref<1x64xf32, #tpu.memory_space<vmem>>
    %dma_wait3A_741 = arith.constant 0 : i32
    %dma_wait3A_742 = tpu.memref_slice %arg2[%squeeze3A_393, %dma_wait3A_741] : memref<100000x64xf32, #tpu.memory_space<hbm>> -> memref<1x64xf32, #tpu.memory_space<hbm>>
    %dma_wait3A_743 = arith.constant 26 : i32
    %dma_wait3A_744 = arith.constant 0 : i32
    %dma_wait3A_745 = tpu.memref_slice %arg6[%dma_wait3A_743, %dma_wait3A_744] : memref<32x64xf32, #tpu.memory_space<vmem>> -> memref<1x64xf32, #tpu.memory_space<vmem>>
    %dma_wait3A_746 = arith.constant 0 : i32
    %dma_wait3A_747 = tpu.memref_slice %arg2[%squeeze3A_393, %dma_wait3A_746] : memref<100000x64xf32, #tpu.memory_space<hbm>> -> memref<1x64xf32, #tpu.memory_space<hbm>>
    tpu.wait_dma2 semaphore(%arg7 : memref<!tpu.dma_semaphore, #tpu.memory_space<semaphore_mem>>) src(%dma_wait3A_747 : memref<1x64xf32, #tpu.memory_space<hbm>>) dst(%dma_wait3A_745 : memref<1x64xf32, #tpu.memory_space<vmem>>)
    %dma_wait3A_748 = arith.constant 27 : i32
    %dma_wait3A_749 = arith.constant 0 : i32
    %dma_wait3A_750 = tpu.memref_slice %arg6[%dma_wait3A_748, %dma_wait3A_749] : memref<32x64xf32, #tpu.memory_space<vmem>> -> memref<1x64xf32, #tpu.memory_space<vmem>>
    %dma_wait3A_751 = arith.constant 0 : i32
    %dma_wait3A_752 = tpu.memref_slice %arg2[%squeeze3A_408, %dma_wait3A_751] : memref<100000x64xf32, #tpu.memory_space<hbm>> -> memref<1x64xf32, #tpu.memory_space<hbm>>
    %dma_wait3A_753 = arith.constant 27 : i32
    %dma_wait3A_754 = arith.constant 0 : i32
    %dma_wait3A_755 = tpu.memref_slice %arg6[%dma_wait3A_753, %dma_wait3A_754] : memref<32x64xf32, #tpu.memory_space<vmem>> -> memref<1x64xf32, #tpu.memory_space<vmem>>
    %dma_wait3A_756 = arith.constant 0 : i32
    %dma_wait3A_757 = tpu.memref_slice %arg2[%squeeze3A_408, %dma_wait3A_756] : memref<100000x64xf32, #tpu.memory_space<hbm>> -> memref<1x64xf32, #tpu.memory_space<hbm>>
    tpu.wait_dma2 semaphore(%arg7 : memref<!tpu.dma_semaphore, #tpu.memory_space<semaphore_mem>>) src(%dma_wait3A_757 : memref<1x64xf32, #tpu.memory_space<hbm>>) dst(%dma_wait3A_755 : memref<1x64xf32, #tpu.memory_space<vmem>>)
    %dma_wait3A_758 = arith.constant 28 : i32
    %dma_wait3A_759 = arith.constant 0 : i32
    %dma_wait3A_760 = tpu.memref_slice %arg6[%dma_wait3A_758, %dma_wait3A_759] : memref<32x64xf32, #tpu.memory_space<vmem>> -> memref<1x64xf32, #tpu.memory_space<vmem>>
    %dma_wait3A_761 = arith.constant 0 : i32
    %dma_wait3A_762 = tpu.memref_slice %arg2[%squeeze3A_423, %dma_wait3A_761] : memref<100000x64xf32, #tpu.memory_space<hbm>> -> memref<1x64xf32, #tpu.memory_space<hbm>>
    %dma_wait3A_763 = arith.constant 28 : i32
    %dma_wait3A_764 = arith.constant 0 : i32
    %dma_wait3A_765 = tpu.memref_slice %arg6[%dma_wait3A_763, %dma_wait3A_764] : memref<32x64xf32, #tpu.memory_space<vmem>> -> memref<1x64xf32, #tpu.memory_space<vmem>>
    %dma_wait3A_766 = arith.constant 0 : i32
    %dma_wait3A_767 = tpu.memref_slice %arg2[%squeeze3A_423, %dma_wait3A_766] : memref<100000x64xf32, #tpu.memory_space<hbm>> -> memref<1x64xf32, #tpu.memory_space<hbm>>
    tpu.wait_dma2 semaphore(%arg7 : memref<!tpu.dma_semaphore, #tpu.memory_space<semaphore_mem>>) src(%dma_wait3A_767 : memref<1x64xf32, #tpu.memory_space<hbm>>) dst(%dma_wait3A_765 : memref<1x64xf32, #tpu.memory_space<vmem>>)
    %dma_wait3A_768 = arith.constant 29 : i32
    %dma_wait3A_769 = arith.constant 0 : i32
    %dma_wait3A_770 = tpu.memref_slice %arg6[%dma_wait3A_768, %dma_wait3A_769] : memref<32x64xf32, #tpu.memory_space<vmem>> -> memref<1x64xf32, #tpu.memory_space<vmem>>
    %dma_wait3A_771 = arith.constant 0 : i32
    %dma_wait3A_772 = tpu.memref_slice %arg2[%squeeze3A_438, %dma_wait3A_771] : memref<100000x64xf32, #tpu.memory_space<hbm>> -> memref<1x64xf32, #tpu.memory_space<hbm>>
    %dma_wait3A_773 = arith.constant 29 : i32
    %dma_wait3A_774 = arith.constant 0 : i32
    %dma_wait3A_775 = tpu.memref_slice %arg6[%dma_wait3A_773, %dma_wait3A_774] : memref<32x64xf32, #tpu.memory_space<vmem>> -> memref<1x64xf32, #tpu.memory_space<vmem>>
    %dma_wait3A_776 = arith.constant 0 : i32
    %dma_wait3A_777 = tpu.memref_slice %arg2[%squeeze3A_438, %dma_wait3A_776] : memref<100000x64xf32, #tpu.memory_space<hbm>> -> memref<1x64xf32, #tpu.memory_space<hbm>>
    tpu.wait_dma2 semaphore(%arg7 : memref<!tpu.dma_semaphore, #tpu.memory_space<semaphore_mem>>) src(%dma_wait3A_777 : memref<1x64xf32, #tpu.memory_space<hbm>>) dst(%dma_wait3A_775 : memref<1x64xf32, #tpu.memory_space<vmem>>)
    %dma_wait3A_778 = arith.constant 30 : i32
    %dma_wait3A_779 = arith.constant 0 : i32
    %dma_wait3A_780 = tpu.memref_slice %arg6[%dma_wait3A_778, %dma_wait3A_779] : memref<32x64xf32, #tpu.memory_space<vmem>> -> memref<1x64xf32, #tpu.memory_space<vmem>>
    %dma_wait3A_781 = arith.constant 0 : i32
    %dma_wait3A_782 = tpu.memref_slice %arg2[%squeeze3A_453, %dma_wait3A_781] : memref<100000x64xf32, #tpu.memory_space<hbm>> -> memref<1x64xf32, #tpu.memory_space<hbm>>
    %dma_wait3A_783 = arith.constant 30 : i32
    %dma_wait3A_784 = arith.constant 0 : i32
    %dma_wait3A_785 = tpu.memref_slice %arg6[%dma_wait3A_783, %dma_wait3A_784] : memref<32x64xf32, #tpu.memory_space<vmem>> -> memref<1x64xf32, #tpu.memory_space<vmem>>
    %dma_wait3A_786 = arith.constant 0 : i32
    %dma_wait3A_787 = tpu.memref_slice %arg2[%squeeze3A_453, %dma_wait3A_786] : memref<100000x64xf32, #tpu.memory_space<hbm>> -> memref<1x64xf32, #tpu.memory_space<hbm>>
    tpu.wait_dma2 semaphore(%arg7 : memref<!tpu.dma_semaphore, #tpu.memory_space<semaphore_mem>>) src(%dma_wait3A_787 : memref<1x64xf32, #tpu.memory_space<hbm>>) dst(%dma_wait3A_785 : memref<1x64xf32, #tpu.memory_space<vmem>>)
    %dma_wait3A_788 = arith.constant 31 : i32
    %dma_wait3A_789 = arith.constant 0 : i32
    %dma_wait3A_790 = tpu.memref_slice %arg6[%dma_wait3A_788, %dma_wait3A_789] : memref<32x64xf32, #tpu.memory_space<vmem>> -> memref<1x64xf32, #tpu.memory_space<vmem>>
    %dma_wait3A_791 = arith.constant 0 : i32
    %dma_wait3A_792 = tpu.memref_slice %arg2[%squeeze3A_468, %dma_wait3A_791] : memref<100000x64xf32, #tpu.memory_space<hbm>> -> memref<1x64xf32, #tpu.memory_space<hbm>>
    %dma_wait3A_793 = arith.constant 31 : i32
    %dma_wait3A_794 = arith.constant 0 : i32
    %dma_wait3A_795 = tpu.memref_slice %arg6[%dma_wait3A_793, %dma_wait3A_794] : memref<32x64xf32, #tpu.memory_space<vmem>> -> memref<1x64xf32, #tpu.memory_space<vmem>>
    %dma_wait3A_796 = arith.constant 0 : i32
    %dma_wait3A_797 = tpu.memref_slice %arg2[%squeeze3A_468, %dma_wait3A_796] : memref<100000x64xf32, #tpu.memory_space<hbm>> -> memref<1x64xf32, #tpu.memory_space<hbm>>
    tpu.wait_dma2 semaphore(%arg7 : memref<!tpu.dma_semaphore, #tpu.memory_space<semaphore_mem>>) src(%dma_wait3A_797 : memref<1x64xf32, #tpu.memory_space<hbm>>) dst(%dma_wait3A_795 : memref<1x64xf32, #tpu.memory_space<vmem>>)
    "tpu.region"() ({
      %run_scoped3A = tpu.sem_alloc : memref<!tpu.dma_semaphore, #tpu.memory_space<semaphore_mem>>
      %dma_start3A_798 = arith.constant 0 : i32
      %dma_start3A_799 = tpu.memref_slice %arg4[%mul3A_2, %dma_start3A_798] : memref<1024x64xf32, #tpu.memory_space<hbm>> -> memref<32x64xf32, #tpu.memory_space<hbm>>
      %dma_start3A_800 = arith.constant 0 : i32
      %dma_start3A_801 = tpu.memref_slice %arg4[%mul3A_2, %dma_start3A_800] : memref<1024x64xf32, #tpu.memory_space<hbm>> -> memref<32x64xf32, #tpu.memory_space<hbm>>
      tpu.enqueue_dma source(%arg6 : memref<32x64xf32, #tpu.memory_space<vmem>>) target(%dma_start3A_801 : memref<32x64xf32, #tpu.memory_space<hbm>>) target_semaphore(%run_scoped3A : memref<!tpu.dma_semaphore, #tpu.memory_space<semaphore_mem>>)
      %dma_wait3A_802 = arith.constant 0 : i32
      %dma_wait3A_803 = tpu.memref_slice %arg4[%mul3A_2, %dma_wait3A_802] : memref<1024x64xf32, #tpu.memory_space<hbm>> -> memref<32x64xf32, #tpu.memory_space<hbm>>
      %dma_wait3A_804 = arith.constant 0 : i32
      %dma_wait3A_805 = tpu.memref_slice %arg4[%mul3A_2, %dma_wait3A_804] : memref<1024x64xf32, #tpu.memory_space<hbm>> -> memref<32x64xf32, #tpu.memory_space<hbm>>
      tpu.wait_dma2 semaphore(%run_scoped3A : memref<!tpu.dma_semaphore, #tpu.memory_space<semaphore_mem>>) src(%arg6 : memref<32x64xf32, #tpu.memory_space<vmem>>) dst(%dma_wait3A_805 : memref<32x64xf32, #tpu.memory_space<hbm>>)
      tpu.yield
    }) : () -> ()
    return
  }
}

module attributes {stable_mosaic.version = 14 : i64} {
  func.func @_combine_body(%arg0: memref<1024x64xf32, #tpu.memory_space<vmem>>, %arg1: memref<1024x64xf32, #tpu.memory_space<vmem>>, %arg2: memref<1024x1xf32, #tpu.memory_space<vmem>>, %arg3: memref<1x1xf32, #tpu.memory_space<vmem>>) attributes {dimension_semantics = [], scalar_prefetch = 0 : i64, scratch_operands = 0 : i64, tpu.core_type = #tpu.core_type<tc>} {
    %get3A = arith.constant 0 : index
    %get3A_0 = arith.constant 0 : index
    %get3A_1 = vector.load %arg0[%get3A, %get3A_0] : memref<1024x64xf32, #tpu.memory_space<vmem>>, vector<1024x64xf32>
    %mul3A = arith.mulf %get3A_1, %get3A_1 : vector<1024x64xf32>
    %reduce_sum3A = arith.constant dense<0.000000e+00> : vector<1024xf32>
    %reduce_sum3A_2 = vector.multi_reduction <add>, %mul3A, %reduce_sum3A [1] : vector<1024x64xf32> to vector<1024xf32>
    %broadcast_in_dim3A = vector.shape_cast %reduce_sum3A_2 : vector<1024xf32> to vector<1024x1xf32>
    %sqrt3A = math.sqrt %broadcast_in_dim3A : vector<1024x1xf32>
    %max3A = arith.constant 9.99999996E-13 : f32
    %max3A_3 = vector.broadcast %max3A : f32 to vector<1024x1xf32>
    %max3A_4 = arith.maximumf %sqrt3A, %max3A_3 : vector<1024x1xf32>
    %div3A = arith.constant 2.885390e+01 : f32
    %div3A_5 = vector.broadcast %div3A : f32 to vector<1024x1xf32>
    %div3A_6 = arith.divf %div3A_5, %max3A_4 : vector<1024x1xf32>
    %mul3A_7 = vector.broadcast %div3A_6 : vector<1024x1xf32> to vector<1024x64xf32>
    %mul3A_8 = arith.mulf %get3A_1, %mul3A_7 : vector<1024x64xf32>
    %get3A_9 = arith.constant 0 : index
    %get3A_10 = arith.constant 0 : index
    %get3A_11 = vector.load %arg1[%get3A_9, %get3A_10] : memref<1024x64xf32, #tpu.memory_space<vmem>>, vector<1024x64xf32>
    %mul3A_12 = arith.mulf %mul3A_8, %get3A_11 : vector<1024x64xf32>
    %reduce_sum3A_13 = arith.constant dense<0.000000e+00> : vector<1024xf32>
    %reduce_sum3A_14 = vector.multi_reduction <add>, %mul3A_12, %reduce_sum3A_13 [1] : vector<1024x64xf32> to vector<1024xf32>
    %broadcast_in_dim3A_15 = vector.shape_cast %reduce_sum3A_14 : vector<1024xf32> to vector<1024x1xf32>
    %get3A_16 = arith.constant 0 : index
    %get3A_17 = arith.constant 0 : index
    %get3A_18 = vector.load %arg2[%get3A_16, %get3A_17] : memref<1024x1xf32, #tpu.memory_space<vmem>>, vector<1024x1xf32>
    %log3A = math.log %get3A_18 : vector<1024x1xf32>
    %log3A_19 = arith.constant 2.000000e+00 : f32
    %log3A_20 = math.log %log3A_19 : f32
    %div3A_21 = vector.broadcast %log3A_20 : f32 to vector<1024x1xf32>
    %div3A_22 = arith.divf %log3A, %div3A_21 : vector<1024x1xf32>
    %sub3A = arith.subf %div3A_22, %broadcast_in_dim3A_15 : vector<1024x1xf32>
    %reduce_sum3A_23 = vector.shape_cast %sub3A : vector<1024x1xf32> to vector<1x1024x1xf32>
    %reduce_sum3A_24 = arith.constant dense<0.000000e+00> : vector<1xf32>
    %reduce_sum3A_25 = vector.multi_reduction <add>, %reduce_sum3A_23, %reduce_sum3A_24 [1, 2] : vector<1x1024x1xf32> to vector<1xf32>
    %reduce_sum3A_26 = vector.shape_cast %reduce_sum3A_25 : vector<1xf32> to vector<1x1x1xf32>
    %reduce_sum3A_27 = vector.extract %reduce_sum3A_26[0, 0, 0] : f32 from vector<1x1x1xf32>
    %div3A_28 = arith.constant 1.024000e+03 : f32
    %div3A_29 = arith.divf %reduce_sum3A_27, %div3A_28 : f32
    %mul3A_30 = arith.constant 0.693147182 : f32
    %mul3A_31 = arith.mulf %mul3A_30, %div3A_29 : f32
    %reshape3A = vector.broadcast %mul3A_31 : f32 to vector<1x1xf32>
    %swap3A = arith.constant 0 : index
    %swap3A_32 = arith.constant 0 : index
    %swap3A_33 = vector.load %arg3[%swap3A, %swap3A_32] : memref<1x1xf32, #tpu.memory_space<vmem>>, vector<1x1xf32>
    tpu.vector_store %arg3[%swap3A, %swap3A_32], %reshape3A {strides = array<i32>} : memref<1x1xf32, #tpu.memory_space<vmem>>, vector<1x1xf32>,
    return
  }
}

module attributes {stable_mosaic.version = 14 : i64} {
  func.func @_sumexp_body(%arg0: i32, %arg1: memref<1024x64xf32, #tpu.memory_space<vmem>>, %arg2: memref<5000x64xf32, #tpu.memory_space<vmem>>, %arg3: memref<1024x1xf32, #tpu.memory_space<vmem>>, %arg4: memref<1024x1xf32, #tpu.memory_space<vmem>>) attributes {dimension_semantics = [#tpu.dimension_semantics<arbitrary>], iteration_bounds = array<i64: 20>, scalar_prefetch = 0 : i64, scratch_operands = 1 : i64, tpu.core_type = #tpu.core_type<tc>, window_params = [{pipeline_mode = #tpu.pipeline_mode<synchronous>, transform_indices = @transform_0, window_bounds = array<i64: 1024, 64>}, {transform_indices = @transform_1, window_bounds = array<i64: 5000, 64>}, {pipeline_mode = #tpu.pipeline_mode<synchronous>, transform_indices = @transform_2, window_bounds = array<i64: 1024, 1>}]} {
    %eq3A = arith.constant 0 : i32
    %eq3A_0 = arith.cmpi eq, %arg0, %eq3A : i32
    %convert_element_type3A = arith.extui %eq3A_0 : i1 to i32
    %cond3A = arith.constant 0 : i32
    %cond3A_1 = arith.cmpi ne, %convert_element_type3A, %cond3A : i32
    scf.if %cond3A_1 {
      %broadcast_in_dim3A_28 = arith.constant 0.000000e+00 : f32
      %broadcast_in_dim3A_29 = vector.broadcast %broadcast_in_dim3A_28 : f32 to vector<1024x1xf32>
      %swap3A_30 = arith.constant 0 : index
      %swap3A_31 = arith.constant 0 : index
      %swap3A_32 = vector.load %arg4[%swap3A_30, %swap3A_31] : memref<1024x1xf32, #tpu.memory_space<vmem>>, vector<1024x1xf32>
      tpu.vector_store %arg4[%swap3A_30, %swap3A_31], %broadcast_in_dim3A_29 {strides = array<i32>} : memref<1024x1xf32, #tpu.memory_space<vmem>>, vector<1024x1xf32>,
    } else {
    }
    %get3A = arith.constant 0 : index
    %get3A_2 = arith.constant 0 : index
    %get3A_3 = vector.load %arg1[%get3A, %get3A_2] : memref<1024x64xf32, #tpu.memory_space<vmem>>, vector<1024x64xf32>
    %mul3A = arith.mulf %get3A_3, %get3A_3 : vector<1024x64xf32>
    %reduce_sum3A = arith.constant dense<0.000000e+00> : vector<1024xf32>
    %reduce_sum3A_4 = vector.multi_reduction <add>, %mul3A, %reduce_sum3A [1] : vector<1024x64xf32> to vector<1024xf32>
    %broadcast_in_dim3A = vector.shape_cast %reduce_sum3A_4 : vector<1024xf32> to vector<1024x1xf32>
    %sqrt3A = math.sqrt %broadcast_in_dim3A : vector<1024x1xf32>
    %max3A = arith.constant 9.99999996E-13 : f32
    %max3A_5 = vector.broadcast %max3A : f32 to vector<1024x1xf32>
    %max3A_6 = arith.maximumf %sqrt3A, %max3A_5 : vector<1024x1xf32>
    %div3A = arith.constant 2.885390e+01 : f32
    %div3A_7 = vector.broadcast %div3A : f32 to vector<1024x1xf32>
    %div3A_8 = arith.divf %div3A_7, %max3A_6 : vector<1024x1xf32>
    %mul3A_9 = vector.broadcast %div3A_8 : vector<1024x1xf32> to vector<1024x64xf32>
    %mul3A_10 = arith.mulf %get3A_3, %mul3A_9 : vector<1024x64xf32>
    %get3A_11 = arith.constant 0 : index
    %get3A_12 = arith.constant 0 : index
    %get3A_13 = vector.load %arg2[%get3A_11, %get3A_12] : memref<5000x64xf32, #tpu.memory_space<vmem>>, vector<5000x64xf32>
    %dot_general3A = arith.constant dense<0.000000e+00> : vector<1024x5000xf32>
    %dot_general3A_14 = tpu.matmul %mul3A_10, %get3A_13, %dot_general3A {dimension_numbers = #tpu.dot_dimension_numbers<[1], [1], [0], [0], [0, 0, 1, 0], [], []>, transpose_lhs_hint = false} : vector<1024x64xf32>, vector<5000x64xf32>, vector<1024x5000xf32> -> vector<1024x5000xf32>
    %get3A_15 = arith.constant 0 : index
    %get3A_16 = arith.constant 0 : index
    %get3A_17 = vector.load %arg4[%get3A_15, %get3A_16] : memref<1024x1xf32, #tpu.memory_space<vmem>>, vector<1024x1xf32>
    %exp23A = math.exp2 %dot_general3A_14 : vector<1024x5000xf32>
    %reduce_sum3A_18 = arith.constant dense<0.000000e+00> : vector<1024xf32>
    %reduce_sum3A_19 = vector.multi_reduction <add>, %exp23A, %reduce_sum3A_18 [1] : vector<1024x5000xf32> to vector<1024xf32>
    %broadcast_in_dim3A_20 = vector.shape_cast %reduce_sum3A_19 : vector<1024xf32> to vector<1024x1xf32>
    %add3A = arith.addf %get3A_17, %broadcast_in_dim3A_20 : vector<1024x1xf32>
    %swap3A = arith.constant 0 : index
    %swap3A_21 = arith.constant 0 : index
    %swap3A_22 = vector.load %arg4[%swap3A, %swap3A_21] : memref<1024x1xf32, #tpu.memory_space<vmem>>, vector<1024x1xf32>
    tpu.vector_store %arg4[%swap3A, %swap3A_21], %add3A {strides = array<i32>} : memref<1024x1xf32, #tpu.memory_space<vmem>>, vector<1024x1xf32>,
    %eq3A_23 = arith.constant 19 : i32
    %eq3A_24 = arith.cmpi eq, %arg0, %eq3A_23 : i32
    %convert_element_type3A_25 = arith.extui %eq3A_24 : i1 to i32
    %cond3A_26 = arith.constant 0 : i32
    %cond3A_27 = arith.cmpi ne, %convert_element_type3A_25, %cond3A_26 : i32
    scf.if %cond3A_27 {
      %get3A_28 = arith.constant 0 : index
      %get3A_29 = arith.constant 0 : index
      %get3A_30 = vector.load %arg4[%get3A_28, %get3A_29] : memref<1024x1xf32, #tpu.memory_space<vmem>>, vector<1024x1xf32>
      %swap3A_31 = arith.constant 0 : index
      %swap3A_32 = arith.constant 0 : index
      %swap3A_33 = vector.load %arg3[%swap3A_31, %swap3A_32] : memref<1024x1xf32, #tpu.memory_space<vmem>>, vector<1024x1xf32>
      tpu.vector_store %arg3[%swap3A_31, %swap3A_32], %get3A_30 {strides = array<i32>} : memref<1024x1xf32, #tpu.memory_space<vmem>>, vector<1024x1xf32>,
    } else {
    }
    return
  }
  func.func @transform_0(%arg0: i32) -> (i32, i32) {
    %c0_i32 = arith.constant 0 : i32
    %c0_i32_0 = arith.constant 0 : i32
    %c0_i32_1 = arith.constant 0 : i32
    return %c0_i32, %c0_i32_0 : i32, i32
  }
  func.func @transform_1(%arg0: i32) -> (i32, i32) {
    %c0_i32 = arith.constant 0 : i32
    %c0_i32_0 = arith.constant 0 : i32
    return %arg0, %c0_i32 : i32, i32
  }
  func.func @transform_2(%arg0: i32) -> (i32, i32) {
    %c0_i32 = arith.constant 0 : i32
    %c0_i32_0 = arith.constant 0 : i32
    %c0_i32_1 = arith.constant 0 : i32
    return %c0_i32, %c0_i32_0 : i32, i32
  }
}

</mosaic_0001>

<sc_bundles>
// kernel: kernel.5.cloned.1.call-start
scs
__scs_entry_jumppad:
0x0: {  	(pc) =	sbr.rel $0x88, $3  }
0x1: {  	(tag) =	ssettag $0x0;
	lr =	simm.s32 $0x1  }
0x2: {  	[smem:$0x3F9E] =	sst lr;
	_ =	strace $0xD0000000  }
0x3: {  	_ = 	snop  }
0x4: {  	_ = 	snop  }
0x5: {  	_ = 	snop  }
0x6: {  	_ = 	snop  }
0x7: {  	_ = 	snop  }
__scs_overlays_trampoline_lowered:
0x8: {  	[smem:$0x3FAD] =	sst s0  }
0x9: {  	[smem:$0x3FAE] =	sst s1  }
0xa: {  	[smem:$0x3FAF] =	sst s2  }
0xb: {  	[smem:$0x3FB0] =	sst s3  }
0xc: {  	[smem:$0x3FB1] =	sst s4  }
0xd: {  	[smem:$0x3FB2] =	sst s5  }
0xe: {  	[smem:$0x3FB3] =	sst s6  }
0xf: {  	[smem:$0x3FB4] =	sst s7  }
0x10: {  	[smem:$0x3FB5] =	sst s8  }
0x11: {  	[smem:$0x3FB6] =	sst s9;
	s0 =	simm.s32 @!p0 $0x0  }
0x12: {  	s1 =	sld [smem:$0x3F9C];
	s0 =	simm.s32 @p0 $0x1  }
0x13: {  	[smem:$0x3FB7] =	sst s0;
	s0 =	simm.s32 @!p1 $0x0  }
0x14: {  	s2 =	sld [smem:$0x3F9B];
	s0 =	simm.s32 @p1 $0x1  }
0x15: {  	[smem:$0x3FB8] =	sst s0;
	s0 =	simm.s32 @!p2 $0x0  }
0x16: {  	s3 =	sld [smem:$0x3FDB];
	s0 =	simm.s32 @p2 $0x1  }
0x17: {  	s4 =	simm.s32 $0x1BF5;
	[smem:$0x3FBA] =	sst s0  }
0x18: {  	s0 =	sld [smem:$0x3F9D];
	_ =	swait.ge [sflag:s4], $0x0  }
0x19: {  	s7 =	sld [smem:$0x3F9E]  }
0x1a: {  	s8 =	sadd.s32 $0xFFFFE003, lr  }
0x1b: {  	s9 =	sadd.s32 $0xFFFFFEF7, lr;
	s5 =	simm.s32 $0xFFFFFFFF;
	p2 =	slt.u32 s8, $0xFFFFF086  }
0x1c: {  	p1 =	slt.u32 s9, $0xF7A;
	s5 =	simm.s32 @!p2 $0x0  }
0x1d: {  	s5 =	simm.s32 @p1 $0x1;
	p0 =	seq.s32 s7, s2  }
0x1e: {  	s7 =	smul.u32 @!p0 $0xF7A, s2;
	p2 =	seq.s32 @!p0 s5, $0x0  }
0x1f: {  	s9 =	smul.u32 $0xF7A, s1;
	s8 =	simm.s32 @!p0 $0x1BF5;
	p2 =	por !p2, p0  }
0x20: {  	[sflag:s8] =	ssyncset.s32 @!p0 $0xFFFFF086;
	s6 =	sadd.s32 @!p0 s3, s7;
	s7 =	simm.s32 @!p0 $0x108  }
0x21: {  	s3 =	sadd.s32 s3, s9;
	s6 =	sadd.s32 @!p0 $0x88, s6;
	s7 =	simm.s32 @p2 $0x1082  }
0x22: {  	[simem:s7], [sflag:s8] =	dma.local @!p0 [hbm:s6], $0xF7A  }
0x23: {  	s9 =	sor.u32 $0xD0000000, s2;
	s6 =	simm.s32 $0x108;
	_ =	swait.ge @!p0 [sflag:s8], $0x0  }
0x24: {  	s3 =	sadd.s32 $0x88, s3;
	s6 =	simm.s32 @!p1 $0x1082;
	[sflag:s4] =	ssyncset.s32 $0xFFFFF086  }
0x25: {  	[simem:s6], [sflag:s4] =	dma.local [hbm:s3], $0xF7A  }
0x26: {  	[smem:$0x3F9E] =	sst s1;
	(tag) =	ssettag s2;
	_ =	strace s9  }
0x27: {  	s1 =	sld [smem:$0x3FAE]  }
0x28: {  	s2 =	sld [smem:$0x3FAF]  }
0x29: {  	s4 =	sld [smem:$0x3FB1]  }
0x2a: {  	p0 =	seq.s32 s5, $0x0;
	s5 =	sld [smem:$0x3FB2]  }
0x2b: {  	s6 =	sld [smem:$0x3FB3]  }
0x2c: {  	s7 =	sld [smem:$0x3FB4]  }
0x2d: {  	s3 =	simm.s32 $0x108;
	s8 =	sld [smem:$0x3FB5]  }
0x2e: {  	s3 =	simm.s32 @!p0 $0x1082;
	s9 =	sld [smem:$0x3FB6]  }
0x2f: {  	lr =	sadd.s32 s0, s3;
	s0 =	sld [smem:$0x3FAD]  }
0x30: {  	s3 =	sld [smem:$0x3FB0]  }
0x31: {  	[smem:$0x3FB9] =	sst s10  }
0x32: {  	s10 =	sld [smem:$0x3FB7];
	_ =	sdelay $0x3  }
0x33: {  	p0 =	seq.s32 s10, $0x1;
	s10 =	sld [smem:$0x3FB9];
	_ =	sdelay $0x3  }
0x34: {  	[smem:$0x3FB9] =	sst s10  }
0x35: {  	s10 =	sld [smem:$0x3FB8];
	_ =	sdelay $0x3  }
0x36: {  	p1 =	seq.s32 s10, $0x1;
	s10 =	sld [smem:$0x3FB9];
	_ =	sdelay $0x3  }
0x37: {  	[smem:$0x3FB9] =	sst s10  }
0x38: {  	s10 =	sld [smem:$0x3FBA]  }
0x39: {  	_ = 	snop;
	(pc) =	sbr.ind lr, $3  }
0x3a: {  	_ = 	snop  }
0x3b: {  	_ = 	snop  }
0x3c: {  	p2 =	seq.s32 s10, $0x1;
	s10 =	sld [smem:$0x3FB9]  }
0x3d: {  	_ =	shalt  }
0x3e: {  	_ =	shalt  }
0x3f: {  	_ =	shalt  }
0x40: {  	_ =	shalt  }
0x41: {  	_ =	shalt  }
0x42: {  	_ =	shalt  }
0x43: {  	_ =	shalt  }
0x44: {  	_ =	shalt  }
0x45: {  	_ =	shalt  }
0x46: {  	_ =	shalt  }
0x47: {  	_ =	shalt  }
0x48: {  	_ =	shalt  }
0x49: {  	_ =	shalt  }
0x4a: {  	_ =	shalt  }
0x4b: {  	_ =	shalt  }
0x4c: {  	_ =	shalt  }
0x4d: {  	_ =	shalt  }
0x4e: {  	_ =	shalt  }
0x4f: {  	_ =	shalt  }
0x50: {  	_ =	shalt  }
0x51: {  	_ =	shalt  }
0x52: {  	_ =	shalt  }
0x53: {  	_ =	shalt  }
0x54: {  	_ =	shalt  }
0x55: {  	_ =	shalt  }
0x56: {  	_ =	shalt  }
0x57: {  	_ =	shalt  }
0x58: {  	_ =	shalt  }
0x59: {  	_ =	shalt  }
0x5a: {  	_ =	shalt  }
0x5b: {  	_ =	shalt  }
0x5c: {  	_ =	shalt  }
0x5d: {  	_ =	shalt  }
0x5e: {  	_ =	shalt  }
0x5f: {  	_ =	shalt  }
0x60: {  	_ =	shalt  }
0x61: {  	_ =	shalt  }
0x62: {  	_ =	shalt  }
0x63: {  	_ =	shalt  }
0x64: {  	_ =	shalt  }
0x65: {  	_ =	shalt  }
0x66: {  	_ =	shalt  }
0x67: {  	_ =	shalt  }
0x68: {  	_ =	shalt  }
0x69: {  	_ =	shalt  }
0x6a: {  	_ =	shalt  }
0x6b: {  	_ =	shalt  }
0x6c: {  	_ =	shalt  }
0x6d: {  	_ =	shalt  }
0x6e: {  	_ =	shalt  }
0x6f: {  	_ =	shalt  }
0x70: {  	_ =	shalt  }
0x71: {  	_ =	shalt  }
0x72: {  	_ =	shalt  }
0x73: {  	_ =	shalt  }
0x74: {  	_ =	shalt  }
0x75: {  	_ =	shalt  }
0x76: {  	_ =	shalt  }
0x77: {  	_ =	shalt  }
0x78: {  	_ =	shalt  }
0x79: {  	_ =	shalt  }
0x7a: {  	_ =	shalt  }
0x7b: {  	_ =	shalt  }
0x7c: {  	_ =	shalt  }
0x7d: {  	_ =	shalt  }
0x7e: {  	_ =	shalt  }
0x7f: {  	_ =	shalt  }
0x80: {  	_ =	shalt  }
0x81: {  	_ =	shalt  }
0x82: {  	_ =	shalt  }
0x83: {  	_ =	shalt  }
0x84: {  	_ =	shalt  }
0x85: {  	_ =	shalt  }
0x86: {  	_ =	shalt  }
0x87: {  	_ =	shalt  }
.Lfunc_end0:
.L_simem_size_0:
called_computation_lowered:
.L_overlay_start_0:
0x88: {  	s2 =	sld [smem:$0x3FD9]  }
0x89: {  	s3 =	sld [smem:$0x3FFE];
	_ =	sdelay $0x1  }
0x8a: {  	s1 =	srdreg.scid  }
0x8b: {  	s0 =	sand.u32 $0x1, s1  }
0x8c: {  	s17 =	sshll.u32 s0, $0xA;
	s2 =	sadd.s32 s3, s2  }
0x8d: {  	s2 =	sadd.s32 s2, s17  }
0x8e: {  	[smem:$0x3FC5] =	sst s2  }
0x8f: {  	_ = 	snop  }
0x90: {  	s2 =	sld [smem:$0x3FC8];
	(tm) =	ssettm $0x1  }
0x91: {  	s18 =	sld [smem:$0x3FFB];
	_ =	sdelay $0x3  }
0x92: {  	_ =	strace s18  }
0x93: {  	s3 =	sld [smem:$0x3FFC];
	_ =	sdelay $0x3  }
0x94: {  	_ =	strace s3  }
0x95: {  	s3 =	sld [smem:$0x3FFD];
	_ =	sdelay $0x3  }
0x96: {  	_ =	strace s3  }
0x97: {  	_ =	strace $0x8FFFFFFF  }
0x98: {  	s19 =	sld [smem:$0x3FDB];
	_ =	sdelay $0x1  }
0x99: {  	s4 =	simm.s32 $_scs_section_size  }
0x9a: {  	s5 =	simm.s32 $_size__tile_overlayer_lowered;
	s6 =	simm.s32 $_tile_overlayer_lowered  }
0x9b: {  	s22 =	simm.s32 $0x1BFF;
	s21 =	sshll.u32 s6, $0x1;
	s3 =	sadd.s32 s4, s19  }
0x9c: {  	s7 =	simm.s32 $0x0;
	s20 =	sshll.u32 s5, $0x1;
	s5 =	sadd.s32 s21, s3  }
0x9d: {  	[timem:s7], [sflag:s22] =	dma.local [hbm:s5], s20  }
0x9e: {  	_ =	swait.ge [sflag:s22], s20  }
0x9f: {  	s4 =	ssub.s32 $0x0, s20;
	[sflag:s22] =	ssyncset.done $0x0  }
0xa0: {  	[sflag:s22] =	ssyncadd.s32 s4;
	_ =	sdelay $0x1  }
0xa1: {  	s23 =	simm.s32 $0x1B8B  }
0xa2: {  	_ =	swait.ge [sflag:s23], $0x1  }
0xa3: {  	[sflag:s23] =	ssyncset.done $0x0  }
0xa4: {  	s25 =	simm.s32 $0x1B8E;
	s24 =	sld [smem:$0x3FFE];
	[sflag:s23] =	ssyncadd.s32 $0xFFFFFFFF  }
0xa5: {  	s26 =	simm.s32 $execute0_lowered;
	[smem:$0x3FD2] =	sst s25  }
0xa6: {  	s5 =	sshll.u32 s26, $0x1;
	_ =	strace $0x80000046;
	[dreg:$0x1] =	wrdreg $0xFFFFFFFF  }
0xa7: {  	s28 =	simm.s32 $_size_execute0_lowered;
	s3 =	sadd.s32 s3, s5;
	[dreg:$0x0] =	wrdreg $0x0  }
0xa8: {  	s5 =	sshll.u32 s28, $0x1;
	[dreg:$0x2] =	wrdreg s3  }
0xa9: {  	[dreg:$0x3] =	wrdreg s5  }
0xaa: {  	[dreg:$0x4] =	wrdreg $0xC0  }
0xab: {  	_ =	task [dreg:s7], $0x5FFFF  }
0xac: {  	[dreg:$0x1] =	wrdreg $0xFFFFFFFF  }
0xad: {  	[dreg:$0x0] =	wrdreg $0x60  }
0xae: {  	[dreg:$0x2] =	wrdreg s24  }
0xaf: {  	[dreg:$0x3] =	wrdreg s2  }
0xb0: {  	[dreg:$0x4] =	wrdreg $0x9  }
0xb1: {  	_ =	task.clear_ibuf [dreg:s7], $0x5FFFF;
	_ =	strace $0x90000046  }
0xb2: {  	s29 =	simm.s32 $0x9;
	_ =	strace $0x80000048  }
0xb3: {  	_ =	swait.ge [sflag:s29], $0x1  }
0xb4: {  	[sflag:s29] =	ssyncadd.s32 $0xFFFFFFFF  }
0xb5: {  	_ =	strace $0x90000048  }
0xb6: {  	_ =	sfence  }
0xb7: {  	s30 =	sld [smem:$0x0];
	_ =	sdelay $0x2  }
0xb8: {  	s31 =	sshll.u32 s1, $0xD;
	s1 =	sshrl.u32 s1, $0x2  }
0xb9: {  	s3 =	sand.u32 $0x4000, s31;
	s1 =	sadd.s32 s1, s30  }
0xba: {  	s0 =	sor.u32 s3, s0;
	s1 =	sshll.u32 s1, $0x11  }
0xbb: {  	s0 =	sor.u32 s1, s0  }
0xbc: {  	s0 =	sadd.s32 $0x8F2B, s0  }
0xbd: {  	[sflag:s0] =	ssyncadd.remote.s32 $0x1  }
0xbe: {  	_ =	sfence.sel $0xFFFF  }
0xbf: {  	[dreg:$0x0] =	wrdreg $0xFFFFFFFF;
	(pc) =	sbr.abs _section_cstart, $3  }
0xc0: {  	[dreg:$0x1] =	wrdreg $0xFFFFFFFF  }
0xc1: {  	_ =	task.clear_ibuf [dreg:s7], $0x2FFFF;
	_ =	strace $0x9FFFFFFF  }
0xc2: {  	(tm) =	ssettm $0x7FFFFFFF  }
0xc3: {  	_ =	shalt  }
tec
execute0_lowered:
.L_overlay_start_1:
0x0: {  	(tag) =	ssettag $0x1  }
0x1: {  	s3 =	rddreg [dreg:$0x0]  }
0x2: {  	s1 =	srdreg.scid;
	s5 =	rddreg [dreg:$0x1]  }
0x3: {  	s2 =	simm.s32 $0x0;
	s4 =	sand.u32 $0x1, s1;
	s1 =	rddreg [dreg:$0x2]  }
0x4: {  	s24 =	simm.s32 $0x100;
	[smem:$0x7FF] =	sst s2  }
0x5: {  	s25 =	simm.s32 $0x180;
	_ =	strace $0x80000047;
	[dreg:$0x5] =	wrdreg s24  }
0x6: {  	s26 =	simm.s32 $0x200;
	[dreg:$0x6] =	wrdreg s25  }
0x7: {  	s28 =	simm.s32 $0x280;
	[dreg:$0x7] =	wrdreg s26  }
0x8: {  	s29 =	simm.s32 $0x300;
	[dreg:$0x8] =	wrdreg s28  }
0x9: {  	s30 =	simm.s32 $0x380;
	[dreg:$0x9] =	wrdreg s29  }
0xa: {  	s31 =	simm.s32 $0x400;
	[dreg:$0xa] =	wrdreg s30  }
0xb: {  	s8 =	simm.s32 $0x580;
	[dreg:$0xb] =	wrdreg s31  }
0xc: {  	s9 =	simm.s32 $0x600;
	[dreg:$0xe] =	wrdreg s8  }
0xd: {  	s10 =	simm.s32 $0x680;
	[dreg:$0xf] =	wrdreg s9  }
0xe: {  	s11 =	simm.s32 $0x700;
	[dreg:$0x10] =	wrdreg s10  }
0xf: {  	s12 =	simm.s32 $0x780;
	[dreg:$0x11] =	wrdreg s11  }
0x10: {  	s13 =	simm.s32 $0x800;
	[dreg:$0x12] =	wrdreg s12  }
0x11: {  	s14 =	simm.s32 $0x880;
	[dreg:$0x13] =	wrdreg s13  }
0x12: {  	s15 =	simm.s32 $0x900;
	[dreg:$0x14] =	wrdreg s14  }
0x13: {  	s16 =	simm.s32 $0x980;
	[dreg:$0x15] =	wrdreg s15  }
0x14: {  	s17 =	simm.s32 $0xA00;
	[dreg:$0x16] =	wrdreg s16  }
0x15: {  	s18 =	simm.s32 $0xA80;
	[dreg:$0x17] =	wrdreg s17  }
0x16: {  	s19 =	simm.s32 $0xB00;
	[dreg:$0x18] =	wrdreg s18  }
0x17: {  	s20 =	simm.s32 $0xB80;
	[dreg:$0x19] =	wrdreg s19  }
0x18: {  	s0 =	stileid.u32;
	s21 =	simm.s32 $0xC00;
	[dreg:$0x1a] =	wrdreg s20  }
0x19: {  	s22 =	simm.s32 $0xC80;
	s6 =	sshll.u32 s0, $0x6;
	[dreg:$0x1b] =	wrdreg s21  }
0x1a: {  	s7 =	sshll.u32 s4, $0x5;
	[dreg:$0x1c] =	wrdreg s22;
	s24 =	simm.s32 $0xD80  }
0x1b: {  	s4 =	ssub.s32 $0x2, s4;
	s25 =	simm.s32 $0xE00;
	[dreg:$0x1e] =	wrdreg s24  }
0x1c: {  	s28 =	simm.s32 $0xE80;
	s29 =	simm.s32 $0xF00;
	[dreg:$0x1f] =	wrdreg s25  }
0x1d: {  	s30 =	simm.s32 $0xF80;
	s31 =	simm.s32 $0x1000;
	[smem:$0x7FA] =	sst s28  }
0x1e: {  	s6 =	sor.u32 s7, s6;
	s26 =	sshrl.u32 s4, $0x1;
	[smem:$0x7FB] =	sst s29  }
0x1f: {  	[smem:$0x7FC] =	sst s30;
	s7 =	sshll.u32 s6, $0x4;
	s6 =	sshrl.u32 s6, $0x3  }
0x20: {  	[smem:$0x7FD] =	sst s31;
	s4 =	ssub.s32 s4, s26;
	s5 =	sadd.s32 s5, s6  }
0x21: {  	s7 =	sadd.s32 s7, s3;
	s6 =	simm.s32 $0x480;
	[dreg:$0x3] =	wrdreg s5  }
0x22: {  	s3 =	sadd.s32 $0x800, s3;
	s23 =	sadd.s32 $0x187200, s7;
	[dreg:$0xc] =	wrdreg s6  }
0x23: {  	s4 =	smax.u32 s4, $0x1;
	s7 =	simm.s32 $0x500;
	[dreg:$0x4] =	wrdreg s23  }
0x24: {  	s5 =	simm.s32 $0x2;
	[dreg:$0xd] =	wrdreg s7;
	s23 =	simm.s32 $0xD00  }
0x25: {  	s6 =	simm.s32 $0x80;
	s7 =	simm.s32 $0x1;
	[dreg:$0x1d] =	wrdreg s23  }
.LBB2_1:
0x26: {  	s8 =	rddreg [dreg:$0x3]  }
0x27: {  	[tilespmem:s2], [sflag:$0x2] =	stream.linear.gather [hbm4b:s8+s2], $0x20, $0x38;
	[tilespmem:$0x1080] =	vst v63  }
0x28: {  	_ =	swait.ge [sflag:s5], $0x20  }
0x29: {  	[sflag:s5] =	ssyncset.done $0x0  }
0x2a: {  	[sflag:s5] =	ssyncadd.s32 $0xFFFFFFE0  }
0x2b: {  	v0 =	vld [tilespmem:$0x0];
	_ =	sdelay $0x4  }
0x2c: {  	(v2sf) =	vpush v0, $0x0;
	_ =	sdelay $0xe  }
0x2d: {  	s11 =	spop (v2sf)  }
0x2e: {  	s8 =	sshll.u32 s11, $0x4  }
0x2f: {  	s8 =	sand.u32 $0x1FFFFFF0, s8  }
0x30: {  	s8 =	sadd.s32 s3, s8  }
0x31: {  	[tilespmem:s6], [sflag:$0x1] =	stream.linear.gather [hbm4b:s8+s2], $0x80, $0x38;
	[tilespmem:$0x1080] =	vst v63  }
0x32: {  	v33 =	vld [tilespmem:$0x0];
	_ =	sdelay $0x4  }
0x33: {  	(v2sf) =	vpush v33, $0x1;
	_ =	sdelay $0xe  }
0x34: {  	s12 =	spop (v2sf)  }
0x35: {  	s8 =	sshll.u32 s12, $0x4  }
0x36: {  	s8 =	sand.u32 $0x1FFFFFF0, s8  }
0x37: {  	s9 =	rddreg [dreg:$0x5];
	s8 =	sadd.s32 s3, s8  }
0x38: {  	[tilespmem:s9], [sflag:$0x1] =	stream.linear.gather [hbm4b:s8+s2], $0x80, $0x38;
	[tilespmem:$0x1080] =	vst v63  }
0x39: {  	v34 =	vld [tilespmem:$0x0];
	_ =	sdelay $0x4  }
0x3a: {  	(v2sf) =	vpush v34, $0x2;
	_ =	sdelay $0xe  }
0x3b: {  	s13 =	spop (v2sf)  }
0x3c: {  	s8 =	sshll.u32 s13, $0x4  }
0x3d: {  	s8 =	sand.u32 $0x1FFFFFF0, s8  }
0x3e: {  	s14 =	rddreg [dreg:$0x6];
	s8 =	sadd.s32 s3, s8  }
0x3f: {  	[tilespmem:s14], [sflag:$0x1] =	stream.linear.gather [hbm4b:s8+s2], $0x80, $0x38;
	[tilespmem:$0x1080] =	vst v63  }
0x40: {  	v35 =	vld [tilespmem:$0x0];
	_ =	sdelay $0x4  }
0x41: {  	(v2sf) =	vpush v35, $0x3;
	_ =	sdelay $0xe  }
0x42: {  	s15 =	spop (v2sf)  }
0x43: {  	s8 =	sshll.u32 s15, $0x4  }
0x44: {  	s8 =	sand.u32 $0x1FFFFFF0, s8  }
0x45: {  	s16 =	rddreg [dreg:$0x7];
	s8 =	sadd.s32 s3, s8  }
0x46: {  	[tilespmem:s16], [sflag:$0x1] =	stream.linear.gather [hbm4b:s8+s2], $0x80, $0x38;
	[tilespmem:$0x1080] =	vst v63  }
0x47: {  	v36 =	vld [tilespmem:$0x0];
	_ =	sdelay $0x4  }
0x48: {  	(v2sf) =	vpush v36, $0x4;
	_ =	sdelay $0xe  }
0x49: {  	s17 =	spop (v2sf)  }
0x4a: {  	s8 =	sshll.u32 s17, $0x4  }
0x4b: {  	s8 =	sand.u32 $0x1FFFFFF0, s8  }
0x4c: {  	s18 =	rddreg [dreg:$0x8];
	s8 =	sadd.s32 s3, s8  }
0x4d: {  	[tilespmem:s18], [sflag:$0x1] =	stream.linear.gather [hbm4b:s8+s2], $0x80, $0x38;
	[tilespmem:$0x1080] =	vst v63  }
0x4e: {  	v37 =	vld [tilespmem:$0x0];
	_ =	sdelay $0x4  }
0x4f: {  	(v2sf) =	vpush v37, $0x5;
	_ =	sdelay $0xe  }
0x50: {  	s19 =	spop (v2sf)  }
0x51: {  	s8 =	sshll.u32 s19, $0x4  }
0x52: {  	s8 =	sand.u32 $0x1FFFFFF0, s8  }
0x53: {  	s20 =	rddreg [dreg:$0x9];
	s8 =	sadd.s32 s3, s8  }
0x54: {  	[tilespmem:s20], [sflag:$0x1] =	stream.linear.gather [hbm4b:s8+s2], $0x80, $0x38;
	[tilespmem:$0x1080] =	vst v63  }
0x55: {  	v38 =	vld [tilespmem:$0x0];
	_ =	sdelay $0x4  }
0x56: {  	(v2sf) =	vpush v38, $0x6;
	_ =	sdelay $0xe  }
0x57: {  	s21 =	spop (v2sf)  }
0x58: {  	s8 =	sshll.u32 s21, $0x4  }
0x59: {  	s8 =	sand.u32 $0x1FFFFFF0, s8  }
0x5a: {  	s22 =	rddreg [dreg:$0xa];
	s8 =	sadd.s32 s3, s8  }
0x5b: {  	[tilespmem:s22], [sflag:$0x1] =	stream.linear.gather [hbm4b:s8+s2], $0x80, $0x38;
	[tilespmem:$0x1080] =	vst v63  }
0x5c: {  	v39 =	vld [tilespmem:$0x0];
	_ =	sdelay $0x4  }
0x5d: {  	(v2sf) =	vpush v39, $0x7;
	_ =	sdelay $0xe  }
0x5e: {  	s23 =	spop (v2sf)  }
0x5f: {  	s8 =	sshll.u32 s23, $0x4  }
0x60: {  	s8 =	sand.u32 $0x1FFFFFF0, s8  }
0x61: {  	s24 =	rddreg [dreg:$0xb];
	s8 =	sadd.s32 s3, s8  }
0x62: {  	[tilespmem:s24], [sflag:$0x1] =	stream.linear.gather [hbm4b:s8+s2], $0x80, $0x38;
	[tilespmem:$0x1080] =	vst v63  }
0x63: {  	v40 =	vld [tilespmem:$0x0];
	_ =	sdelay $0x4  }
0x64: {  	(v2sf) =	vpush v40, $0x8;
	_ =	sdelay $0xe  }
0x65: {  	s25 =	spop (v2sf)  }
0x66: {  	s8 =	sshll.u32 s25, $0x4  }
0x67: {  	s8 =	sand.u32 $0x1FFFFFF0, s8  }
0x68: {  	s26 =	rddreg [dreg:$0xc];
	s8 =	sadd.s32 s3, s8  }
0x69: {  	[tilespmem:s26], [sflag:$0x1] =	stream.linear.gather [hbm4b:s8+s2], $0x80, $0x38;
	[tilespmem:$0x1080] =	vst v63  }
0x6a: {  	v41 =	vld [tilespmem:$0x0];
	_ =	sdelay $0x4  }
0x6b: {  	(v2sf) =	vpush v41, $0x9;
	_ =	sdelay $0xe  }
0x6c: {  	s28 =	spop (v2sf)  }
0x6d: {  	s8 =	sshll.u32 s28, $0x4  }
0x6e: {  	s8 =	sand.u32 $0x1FFFFFF0, s8  }
0x6f: {  	s29 =	rddreg [dreg:$0xd];
	s8 =	sadd.s32 s3, s8  }
0x70: {  	[tilespmem:s29], [sflag:$0x1] =	stream.linear.gather [hbm4b:s8+s2], $0x80, $0x38;
	[tilespmem:$0x1080] =	vst v63  }
0x71: {  	v42 =	vld [tilespmem:$0x0];
	_ =	sdelay $0x4  }
0x72: {  	(v2sf) =	vpush v42, $0xA;
	_ =	sdelay $0xe  }
0x73: {  	s30 =	spop (v2sf)  }
0x74: {  	s8 =	sshll.u32 s30, $0x4  }
0x75: {  	s8 =	sand.u32 $0x1FFFFFF0, s8  }
0x76: {  	s31 =	rddreg [dreg:$0xe];
	s8 =	sadd.s32 s3, s8  }
0x77: {  	[tilespmem:s31], [sflag:$0x1] =	stream.linear.gather [hbm4b:s8+s2], $0x80, $0x38;
	[tilespmem:$0x1080] =	vst v63  }
0x78: {  	v43 =	vld [tilespmem:$0x0];
	_ =	sdelay $0x4  }
0x79: {  	(v2sf) =	vpush v43, $0xB;
	_ =	sdelay $0xe  }
0x7a: {  	s9 =	spop (v2sf)  }
0x7b: {  	s8 =	sshll.u32 s9, $0x4  }
0x7c: {  	s8 =	sand.u32 $0x1FFFFFF0, s8  }
0x7d: {  	s10 =	rddreg [dreg:$0xf];
	s8 =	sadd.s32 s3, s8  }
0x7e: {  	[tilespmem:s10], [sflag:$0x1] =	stream.linear.gather [hbm4b:s8+s2], $0x80, $0x38;
	[tilespmem:$0x1080] =	vst v63  }
0x7f: {  	v44 =	vld [tilespmem:$0x0];
	_ =	sdelay $0x4  }
0x80: {  	(v2sf) =	vpush v44, $0xC;
	_ =	sdelay $0xe  }
0x81: {  	s11 =	spop (v2sf)  }
0x82: {  	s8 =	sshll.u32 s11, $0x4  }
0x83: {  	s8 =	sand.u32 $0x1FFFFFF0, s8  }
0x84: {  	s12 =	rddreg [dreg:$0x10];
	s8 =	sadd.s32 s3, s8  }
0x85: {  	[tilespmem:s12], [sflag:$0x1] =	stream.linear.gather [hbm4b:s8+s2], $0x80, $0x38;
	[tilespmem:$0x1080] =	vst v63  }
0x86: {  	v45 =	vld [tilespmem:$0x0];
	_ =	sdelay $0x4  }
0x87: {  	(v2sf) =	vpush v45, $0xD;
	_ =	sdelay $0xe  }
0x88: {  	s13 =	spop (v2sf)  }
0x89: {  	s8 =	sshll.u32 s13, $0x4  }
0x8a: {  	s8 =	sand.u32 $0x1FFFFFF0, s8  }
0x8b: {  	s14 =	rddreg [dreg:$0x11];
	s8 =	sadd.s32 s3, s8  }
0x8c: {  	[tilespmem:s14], [sflag:$0x1] =	stream.linear.gather [hbm4b:s8+s2], $0x80, $0x38;
	[tilespmem:$0x1080] =	vst v63  }
0x8d: {  	v46 =	vld [tilespmem:$0x0];
	_ =	sdelay $0x4  }
0x8e: {  	(v2sf) =	vpush v46, $0xE;
	_ =	sdelay $0xe  }
0x8f: {  	s15 =	spop (v2sf)  }
0x90: {  	s8 =	sshll.u32 s15, $0x4  }
0x91: {  	s8 =	sand.u32 $0x1FFFFFF0, s8  }
0x92: {  	s16 =	rddreg [dreg:$0x12];
	s8 =	sadd.s32 s3, s8  }
0x93: {  	[tilespmem:s16], [sflag:$0x1] =	stream.linear.gather [hbm4b:s8+s2], $0x80, $0x38;
	[tilespmem:$0x1080] =	vst v63  }
0x94: {  	v47 =	vld [tilespmem:$0x0];
	_ =	sdelay $0x4  }
0x95: {  	(v2sf) =	vpush v47, $0xF;
	_ =	sdelay $0xe  }
0x96: {  	s17 =	spop (v2sf)  }
0x97: {  	s8 =	sshll.u32 s17, $0x4  }
0x98: {  	s8 =	sand.u32 $0x1FFFFFF0, s8  }
0x99: {  	s18 =	rddreg [dreg:$0x13];
	s8 =	sadd.s32 s3, s8  }
0x9a: {  	[tilespmem:s18], [sflag:$0x1] =	stream.linear.gather [hbm4b:s8+s2], $0x80, $0x38;
	[tilespmem:$0x1080] =	vst v63  }
0x9b: {  	v48 =	vld [tilespmem:$0x10];
	_ =	sdelay $0x4  }
0x9c: {  	(v2sf) =	vpush v48, $0x0;
	_ =	sdelay $0xe  }
0x9d: {  	s19 =	spop (v2sf)  }
0x9e: {  	s8 =	sshll.u32 s19, $0x4  }
0x9f: {  	s8 =	sand.u32 $0x1FFFFFF0, s8  }
0xa0: {  	s20 =	rddreg [dreg:$0x14];
	s8 =	sadd.s32 s3, s8  }
0xa1: {  	[tilespmem:s20], [sflag:$0x1] =	stream.linear.gather [hbm4b:s8+s2], $0x80, $0x38;
	[tilespmem:$0x1080] =	vst v63  }
0xa2: {  	v49 =	vld [tilespmem:$0x10];
	_ =	sdelay $0x4  }
0xa3: {  	(v2sf) =	vpush v49, $0x1;
	_ =	sdelay $0xe  }
0xa4: {  	s21 =	spop (v2sf)  }
0xa5: {  	s8 =	sshll.u32 s21, $0x4  }
0xa6: {  	s8 =	sand.u32 $0x1FFFFFF0, s8  }
0xa7: {  	s22 =	rddreg [dreg:$0x15];
	s8 =	sadd.s32 s3, s8  }
0xa8: {  	[tilespmem:s22], [sflag:$0x1] =	stream.linear.gather [hbm4b:s8+s2], $0x80, $0x38;
	[tilespmem:$0x1080] =	vst v63  }
0xa9: {  	v50 =	vld [tilespmem:$0x10];
	_ =	sdelay $0x4  }
0xaa: {  	(v2sf) =	vpush v50, $0x2;
	_ =	sdelay $0xe  }
0xab: {  	s23 =	spop (v2sf)  }
0xac: {  	s8 =	sshll.u32 s23, $0x4  }
0xad: {  	s8 =	sand.u32 $0x1FFFFFF0, s8  }
0xae: {  	s24 =	rddreg [dreg:$0x16];
	s8 =	sadd.s32 s3, s8  }
0xaf: {  	[tilespmem:s24], [sflag:$0x1] =	stream.linear.gather [hbm4b:s8+s2], $0x80, $0x38;
	[tilespmem:$0x1080] =	vst v63  }
0xb0: {  	v51 =	vld [tilespmem:$0x10];
	_ =	sdelay $0x4  }
0xb1: {  	(v2sf) =	vpush v51, $0x3;
	_ =	sdelay $0xe  }
0xb2: {  	s25 =	spop (v2sf)  }
0xb3: {  	s8 =	sshll.u32 s25, $0x4  }
0xb4: {  	s8 =	sand.u32 $0x1FFFFFF0, s8  }
0xb5: {  	s26 =	rddreg [dreg:$0x17];
	s8 =	sadd.s32 s3, s8  }
0xb6: {  	[tilespmem:s26], [sflag:$0x1] =	stream.linear.gather [hbm4b:s8+s2], $0x80, $0x38;
	[tilespmem:$0x1080] =	vst v63  }
0xb7: {  	v52 =	vld [tilespmem:$0x10];
	_ =	sdelay $0x4  }
0xb8: {  	(v2sf) =	vpush v52, $0x4;
	_ =	sdelay $0xe  }
0xb9: {  	s28 =	spop (v2sf)  }
0xba: {  	s8 =	sshll.u32 s28, $0x4  }
0xbb: {  	s8 =	sand.u32 $0x1FFFFFF0, s8  }
0xbc: {  	s29 =	rddreg [dreg:$0x18];
	s8 =	sadd.s32 s3, s8  }
0xbd: {  	[tilespmem:s29], [sflag:$0x1] =	stream.linear.gather [hbm4b:s8+s2], $0x80, $0x38;
	[tilespmem:$0x1080] =	vst v63  }
0xbe: {  	v53 =	vld [tilespmem:$0x10];
	_ =	sdelay $0x4  }
0xbf: {  	(v2sf) =	vpush v53, $0x5;
	_ =	sdelay $0xe  }
0xc0: {  	s30 =	spop (v2sf)  }
0xc1: {  	s8 =	sshll.u32 s30, $0x4  }
0xc2: {  	s8 =	sand.u32 $0x1FFFFFF0, s8  }
0xc3: {  	s31 =	rddreg [dreg:$0x19];
	s8 =	sadd.s32 s3, s8  }
0xc4: {  	[tilespmem:s31], [sflag:$0x1] =	stream.linear.gather [hbm4b:s8+s2], $0x80, $0x38;
	[tilespmem:$0x1080] =	vst v63  }
0xc5: {  	v54 =	vld [tilespmem:$0x10];
	_ =	sdelay $0x4  }
0xc6: {  	(v2sf) =	vpush v54, $0x6;
	_ =	sdelay $0xe  }
0xc7: {  	s10 =	spop (v2sf)  }
0xc8: {  	s8 =	sshll.u32 s10, $0x4  }
0xc9: {  	s8 =	sand.u32 $0x1FFFFFF0, s8  }
0xca: {  	s11 =	rddreg [dreg:$0x1a];
	s8 =	sadd.s32 s3, s8  }
0xcb: {  	[tilespmem:s11], [sflag:$0x1] =	stream.linear.gather [hbm4b:s8+s2], $0x80, $0x38;
	[tilespmem:$0x1080] =	vst v63  }
0xcc: {  	v55 =	vld [tilespmem:$0x10];
	_ =	sdelay $0x4  }
0xcd: {  	(v2sf) =	vpush v55, $0x7;
	_ =	sdelay $0xe  }
0xce: {  	s12 =	spop (v2sf)  }
0xcf: {  	s8 =	sshll.u32 s12, $0x4  }
0xd0: {  	s8 =	sand.u32 $0x1FFFFFF0, s8  }
0xd1: {  	s13 =	rddreg [dreg:$0x1b];
	s8 =	sadd.s32 s3, s8  }
0xd2: {  	[tilespmem:s13], [sflag:$0x1] =	stream.linear.gather [hbm4b:s8+s2], $0x80, $0x38;
	[tilespmem:$0x1080] =	vst v63  }
0xd3: {  	v56 =	vld [tilespmem:$0x10];
	_ =	sdelay $0x4  }
0xd4: {  	(v2sf) =	vpush v56, $0x8;
	_ =	sdelay $0xe  }
0xd5: {  	s14 =	spop (v2sf)  }
0xd6: {  	s8 =	sshll.u32 s14, $0x4  }
0xd7: {  	s8 =	sand.u32 $0x1FFFFFF0, s8  }
0xd8: {  	s15 =	rddreg [dreg:$0x1c];
	s8 =	sadd.s32 s3, s8  }
0xd9: {  	[tilespmem:s15], [sflag:$0x1] =	stream.linear.gather [hbm4b:s8+s2], $0x80, $0x38;
	[tilespmem:$0x1080] =	vst v63  }
0xda: {  	v57 =	vld [tilespmem:$0x10];
	_ =	sdelay $0x4  }
0xdb: {  	(v2sf) =	vpush v57, $0x9;
	_ =	sdelay $0xe  }
0xdc: {  	s16 =	spop (v2sf)  }
0xdd: {  	s8 =	sshll.u32 s16, $0x4  }
0xde: {  	s8 =	sand.u32 $0x1FFFFFF0, s8  }
0xdf: {  	s17 =	rddreg [dreg:$0x1d];
	s8 =	sadd.s32 s3, s8  }
0xe0: {  	[tilespmem:s17], [sflag:$0x1] =	stream.linear.gather [hbm4b:s8+s2], $0x80, $0x38;
	[tilespmem:$0x1080] =	vst v63  }
0xe1: {  	v58 =	vld [tilespmem:$0x10];
	_ =	sdelay $0x4  }
0xe2: {  	(v2sf) =	vpush v58, $0xA;
	_ =	sdelay $0xe  }
0xe3: {  	s18 =	spop (v2sf)  }
0xe4: {  	s8 =	sshll.u32 s18, $0x4  }
0xe5: {  	s8 =	sand.u32 $0x1FFFFFF0, s8  }
0xe6: {  	s19 =	rddreg [dreg:$0x1e];
	s8 =	sadd.s32 s3, s8  }
0xe7: {  	[tilespmem:s19], [sflag:$0x1] =	stream.linear.gather [hbm4b:s8+s2], $0x80, $0x38;
	[tilespmem:$0x1080] =	vst v63  }
0xe8: {  	v59 =	vld [tilespmem:$0x10];
	_ =	sdelay $0x4  }
0xe9: {  	(v2sf) =	vpush v59, $0xB;
	_ =	sdelay $0xe  }
0xea: {  	s20 =	spop (v2sf)  }
0xeb: {  	s8 =	sshll.u32 s20, $0x4  }
0xec: {  	s8 =	sand.u32 $0x1FFFFFF0, s8  }
0xed: {  	s21 =	rddreg [dreg:$0x1f];
	s8 =	sadd.s32 s3, s8  }
0xee: {  	[tilespmem:s21], [sflag:$0x1] =	stream.linear.gather [hbm4b:s8+s2], $0x80, $0x38;
	[tilespmem:$0x1080] =	vst v63  }
0xef: {  	v60 =	vld [tilespmem:$0x10];
	_ =	sdelay $0x4  }
0xf0: {  	(v2sf) =	vpush v60, $0xC;
	_ =	sdelay $0xe  }
0xf1: {  	s22 =	spop (v2sf)  }
0xf2: {  	s23 =	sld [smem:$0x7FA];
	s8 =	sshll.u32 s22, $0x4  }
0xf3: {  	s8 =	sand.u32 $0x1FFFFFF0, s8  }
0xf4: {  	s8 =	sadd.s32 s3, s8  }
0xf5: {  	[tilespmem:s23], [sflag:$0x1] =	stream.linear.gather [hbm4b:s8+s2], $0x80, $0x38;
	[tilespmem:$0x1080] =	vst v63  }
0xf6: {  	v61 =	vld [tilespmem:$0x10];
	_ =	sdelay $0x4  }
0xf7: {  	(v2sf) =	vpush v61, $0xD;
	_ =	sdelay $0xe  }
0xf8: {  	s24 =	spop (v2sf)  }
0xf9: {  	s25 =	sld [smem:$0x7FB];
	s8 =	sshll.u32 s24, $0x4  }
0xfa: {  	s8 =	sand.u32 $0x1FFFFFF0, s8  }
0xfb: {  	s8 =	sadd.s32 s3, s8  }
0xfc: {  	[tilespmem:s25], [sflag:$0x1] =	stream.linear.gather [hbm4b:s8+s2], $0x80, $0x38;
	[tilespmem:$0x1080] =	vst v63  }
0xfd: {  	v62 =	vld [tilespmem:$0x10];
	_ =	sdelay $0x4  }
0xfe: {  	(v2sf) =	vpush v62, $0xE;
	_ =	sdelay $0xe  }
0xff: {  	s26 =	spop (v2sf)  }
0x100: {  	s28 =	sld [smem:$0x7FC];
	s8 =	sshll.u32 s26, $0x4  }
0x101: {  	s8 =	sand.u32 $0x1FFFFFF0, s8  }
0x102: {  	s8 =	sadd.s32 s3, s8  }
0x103: {  	[tilespmem:s28], [sflag:$0x1] =	stream.linear.gather [hbm4b:s8+s2], $0x80, $0x38;
	[tilespmem:$0x1080] =	vst v63  }
0x104: {  	v63 =	vld [tilespmem:$0x10];
	_ =	sdelay $0x4  }
0x105: {  	(v2sf) =	vpush v63, $0xF;
	_ =	sdelay $0xe  }
0x106: {  	s29 =	spop (v2sf)  }
0x107: {  	s30 =	sld [smem:$0x7FD];
	s8 =	sshll.u32 s29, $0x4  }
0x108: {  	s8 =	sand.u32 $0x1FFFFFF0, s8  }
0x109: {  	s8 =	sadd.s32 s3, s8  }
0x10a: {  	[tilespmem:s30], [sflag:$0x1] =	stream.linear.gather [hbm4b:s8+s2], $0x80, $0x38;
	[tilespmem:$0x1080] =	vst v63  }
0x10b: {  	_ =	swait.ge [sflag:s7], $0x80  }
0x10c: {  	[sflag:s7] =	ssyncset.done $0x0  }
0x10d: {  	[sflag:s7] =	ssyncadd.s32 $0xFFFFFF80  }
0x10e: {  	_ =	swait.ge [sflag:s7], $0x80  }
0x10f: {  	[sflag:s7] =	ssyncset.done $0x0  }
0x110: {  	[sflag:s7] =	ssyncadd.s32 $0xFFFFFF80  }
0x111: {  	_ =	swait.ge [sflag:s7], $0x80  }
0x112: {  	[sflag:s7] =	ssyncset.done $0x0  }
0x113: {  	[sflag:s7] =	ssyncadd.s32 $0xFFFFFF80  }
0x114: {  	_ =	swait.ge [sflag:s7], $0x80  }
0x115: {  	[sflag:s7] =	ssyncset.done $0x0  }
0x116: {  	[sflag:s7] =	ssyncadd.s32 $0xFFFFFF80  }
0x117: {  	_ =	swait.ge [sflag:s7], $0x80  }
0x118: {  	[sflag:s7] =	ssyncset.done $0x0  }
0x119: {  	[sflag:s7] =	ssyncadd.s32 $0xFFFFFF80  }
0x11a: {  	_ =	swait.ge [sflag:s7], $0x80  }
0x11b: {  	[sflag:s7] =	ssyncset.done $0x0  }
0x11c: {  	[sflag:s7] =	ssyncadd.s32 $0xFFFFFF80  }
0x11d: {  	_ =	swait.ge [sflag:s7], $0x80  }
0x11e: {  	[sflag:s7] =	ssyncset.done $0x0  }
0x11f: {  	[sflag:s7] =	ssyncadd.s32 $0xFFFFFF80  }
0x120: {  	_ =	swait.ge [sflag:s7], $0x80  }
0x121: {  	[sflag:s7] =	ssyncset.done $0x0  }
0x122: {  	[sflag:s7] =	ssyncadd.s32 $0xFFFFFF80  }
0x123: {  	_ =	swait.ge [sflag:s7], $0x80  }
0x124: {  	[sflag:s7] =	ssyncset.done $0x0  }
0x125: {  	[sflag:s7] =	ssyncadd.s32 $0xFFFFFF80  }
0x126: {  	_ =	swait.ge [sflag:s7], $0x80  }
0x127: {  	[sflag:s7] =	ssyncset.done $0x0  }
0x128: {  	[sflag:s7] =	ssyncadd.s32 $0xFFFFFF80  }
0x129: {  	_ =	swait.ge [sflag:s7], $0x80  }
0x12a: {  	[sflag:s7] =	ssyncset.done $0x0  }
0x12b: {  	[sflag:s7] =	ssyncadd.s32 $0xFFFFFF80  }
0x12c: {  	_ =	swait.ge [sflag:s7], $0x80  }
0x12d: {  	[sflag:s7] =	ssyncset.done $0x0  }
0x12e: {  	[sflag:s7] =	ssyncadd.s32 $0xFFFFFF80  }
0x12f: {  	_ =	swait.ge [sflag:s7], $0x80  }
0x130: {  	[sflag:s7] =	ssyncset.done $0x0  }
0x131: {  	[sflag:s7] =	ssyncadd.s32 $0xFFFFFF80  }
0x132: {  	_ =	swait.ge [sflag:s7], $0x80  }
0x133: {  	[sflag:s7] =	ssyncset.done $0x0  }
0x134: {  	[sflag:s7] =	ssyncadd.s32 $0xFFFFFF80  }
0x135: {  	_ =	swait.ge [sflag:s7], $0x80  }
0x136: {  	[sflag:s7] =	ssyncset.done $0x0  }
0x137: {  	[sflag:s7] =	ssyncadd.s32 $0xFFFFFF80  }
0x138: {  	_ =	swait.ge [sflag:s7], $0x80  }
0x139: {  	[sflag:s7] =	ssyncset.done $0x0  }
0x13a: {  	[sflag:s7] =	ssyncadd.s32 $0xFFFFFF80  }
0x13b: {  	_ =	swait.ge [sflag:s7], $0x80  }
0x13c: {  	[sflag:s7] =	ssyncset.done $0x0  }
0x13d: {  	[sflag:s7] =	ssyncadd.s32 $0xFFFFFF80  }
0x13e: {  	_ =	swait.ge [sflag:s7], $0x80  }
0x13f: {  	[sflag:s7] =	ssyncset.done $0x0  }
0x140: {  	[sflag:s7] =	ssyncadd.s32 $0xFFFFFF80  }
0x141: {  	_ =	swait.ge [sflag:s7], $0x80  }
0x142: {  	[sflag:s7] =	ssyncset.done $0x0  }
0x143: {  	[sflag:s7] =	ssyncadd.s32 $0xFFFFFF80  }
0x144: {  	_ =	swait.ge [sflag:s7], $0x80  }
0x145: {  	[sflag:s7] =	ssyncset.done $0x0  }
0x146: {  	[sflag:s7] =	ssyncadd.s32 $0xFFFFFF80  }
0x147: {  	_ =	swait.ge [sflag:s7], $0x80  }
0x148: {  	[sflag:s7] =	ssyncset.done $0x0  }
0x149: {  	[sflag:s7] =	ssyncadd.s32 $0xFFFFFF80  }
0x14a: {  	_ =	swait.ge [sflag:s7], $0x80  }
0x14b: {  	[sflag:s7] =	ssyncset.done $0x0  }
0x14c: {  	[sflag:s7] =	ssyncadd.s32 $0xFFFFFF80  }
0x14d: {  	_ =	swait.ge [sflag:s7], $0x80  }
0x14e: {  	[sflag:s7] =	ssyncset.done $0x0  }
0x14f: {  	[sflag:s7] =	ssyncadd.s32 $0xFFFFFF80  }
0x150: {  	_ =	swait.ge [sflag:s7], $0x80  }
0x151: {  	[sflag:s7] =	ssyncset.done $0x0  }
0x152: {  	[sflag:s7] =	ssyncadd.s32 $0xFFFFFF80  }
0x153: {  	_ =	swait.ge [sflag:s7], $0x80  }
0x154: {  	[sflag:s7] =	ssyncset.done $0x0  }
0x155: {  	[sflag:s7] =	ssyncadd.s32 $0xFFFFFF80  }
0x156: {  	_ =	swait.ge [sflag:s7], $0x80  }
0x157: {  	[sflag:s7] =	ssyncset.done $0x0  }
0x158: {  	[sflag:s7] =	ssyncadd.s32 $0xFFFFFF80  }
0x159: {  	_ =	swait.ge [sflag:s7], $0x80  }
0x15a: {  	[sflag:s7] =	ssyncset.done $0x0  }
0x15b: {  	[sflag:s7] =	ssyncadd.s32 $0xFFFFFF80  }
0x15c: {  	_ =	swait.ge [sflag:s7], $0x80  }
0x15d: {  	[sflag:s7] =	ssyncset.done $0x0  }
0x15e: {  	[sflag:s7] =	ssyncadd.s32 $0xFFFFFF80  }
0x15f: {  	_ =	swait.ge [sflag:s7], $0x80  }
0x160: {  	[sflag:s7] =	ssyncset.done $0x0  }
0x161: {  	[sflag:s7] =	ssyncadd.s32 $0xFFFFFF80  }
0x162: {  	_ =	swait.ge [sflag:s7], $0x80  }
0x163: {  	[sflag:s7] =	ssyncset.done $0x0  }
0x164: {  	[sflag:s7] =	ssyncadd.s32 $0xFFFFFF80  }
0x165: {  	_ =	swait.ge [sflag:s7], $0x80  }
0x166: {  	[sflag:s7] =	ssyncset.done $0x0  }
0x167: {  	[sflag:s7] =	ssyncadd.s32 $0xFFFFFF80  }
0x168: {  	_ =	swait.ge [sflag:s7], $0x80  }
0x169: {  	p0 =	sne.s32 s4, $0x1;
	[sflag:s7] =	ssyncset.done $0x0  }
.Ltmp0:
0x16a: {  	s31 =	rddreg [dreg:$0x4];
	[sflag:s7] =	ssyncadd.s32 $0xFFFFFF80;
	(pc) =	sbr.rel @p0 .LBB2_1-.Ltmp0, $4  }
0x16b: {  	[hbm4b:s31+s2] =	stream.linear.scatter [tilespmem:s6], [sflag:$0x2], $0x1000, $0x38;
	[tilespmem:$0x1080] =	vst v63  }
0x16c: {  	_ =	swait.ge [sflag:s5], $0x1000  }
0x16d: {  	[sflag:s5] =	ssyncset.done $0x0  }
0x16e: {  	s4 =	sadd.s32 $0xFFFFFFFF, s4;
	[sflag:s5] =	ssyncadd.s32 $0xFFFFF000  }
0x16f: {  	_ =	sfence.sel $0x180000  }
0x170: {  	[bflag:$0x0] =	sbarrier.arrive $0xFFFF  }
0x171: {  	p0 =	sne.s32 s0, $0x0;
	_ =	strace $0x90000047  }
0x172: {  	s0 =	sadd.s32 @!p0 $0x100000, s1;
	[bflag:$0x2] =	sbarrier.arrive $0xFFFF  }
0x173: {  	[sflag:s0] =	ssyncadd.tile.s32 @!p0 $0x1;
	_ =	shalt  }
.Lfunc_end2:
_tile_overlayer_lowered:
.L_overlay_start_2:
0x174: {  	(tag) =	ssettag $0x2  }
0x175: {  	s0 =	rddreg [dreg:$0x0];
	s2 =	stileid.u32  }
0x176: {  	s1 =	rddreg [dreg:$0x1];
	p0 =	sne.s32 s2, $0x0  }
0x177: {  	s3 =	rddreg [dreg:$0x2];
	[bflag:$0x3] =	sbarrier.arrive $0xFFFF;
	s2 =	simm.s32 @!p0 $0x1C02  }
0x178: {  	[timem:s3], [sflag:s2] =	dma.local @!p0 [hbm:s0], s1  }
0x179: {  	s0 =	simm.s32 @!p0 $0x2  }
0x17a: {  	_ =	swait.ge @!p0 [sflag:s0], s1  }
0x17b: {  	s1 =	ssub.s32 @!p0 $0x0, s1;
	[sflag:s0] =	ssyncset.done @!p0 $0x0  }
0x17c: {  	[sflag:s0] =	ssyncadd.s32 @!p0 s1  }
0x17d: {  	[bflag:$0x3] =	sbarrier.arrive $0xFFFF  }
0x17e: {  	_ =	shalt  }

</sc_bundles>
